<compile_context>
chip_gen: v7x
topology: tpu7x:2x2x1
jax: 0.10.2.dev20260603
libtpu: 0.0.44.dev20260713+nightly
codegen_flags: <defaults>
</compile_context>

<pallas_src>
import functools

import jax
import jax.numpy as jnp
from jax import lax
from jax.experimental import pallas as pl
from jax.experimental.pallas import tpu as pltpu
from jax.experimental.pallas import tpu_sc as plsc

N = 10000
E = 320000
D_IN = 128
H1 = 128
H2 = 64
OUT = 2
OUT_PAD = 16
EPS = 1e-5

NC = 2
NS = 16
NW = NC * NS
CH = 128
CPT = 80
HCPT = 40
E_PAD = CPT * NW * CH
PAD_ROWS = 240
NP = N + PAD_ROWS
SPT = NP // NS
RPT = 632
NA = NS * RPT


def _segsum_sc(H, linear=False, nbuf=2, idx_halves=2, async_scatter=True):
    mesh = plsc.VectorSubcoreMesh(core_axis_name="c", subcore_axis_name="s")

    hc = CPT // idx_halves
    assert hc % nbuf == 0

    def body(t_hbm, src_hbm, dst_hbm, z_hbm, out_hbm, src_v, dst_v, *rest):
        rows = rest[:nbuf]
        acc_sh = rest[nbuf]
        sem_g = rest[nbuf + 1:2 * nbuf + 1]
        sem_s = rest[2 * nbuf + 1:]
        c = lax.axis_index("c")
        s = lax.axis_index("s")
        wid = c * NS + s
        pltpu.sync_copy(z_hbm.at[pl.ds(s * RPT, RPT)],
                        acc_sh.at[pl.ds(s * RPT, RPT)])
        plsc.subcore_barrier()

        for half in range(idx_halves):
            pltpu.sync_copy(src_hbm.at[pl.ds((wid * CPT + half * hc), hc)],
                            src_v)
            pltpu.sync_copy(dst_hbm.at[pl.ds((wid * CPT + half * hc), hc)],
                            dst_v)
            if not async_scatter:
                rows_a, rows_b = rows[0], rows[1]
                sem_a, sem_b = sem_g[0], sem_g[1]
                pltpu.async_copy(t_hbm.at[src_v.at[0]], rows_a, sem_a)

                @pl.loop(0, hc, step=2)
                def _(i):
                    pltpu.async_copy(t_hbm.at[src_v.at[i + 1]], rows_b, sem_b)
                    pltpu.make_async_copy(t_hbm.at[src_v.at[i]], rows_a,
                                          sem_a).wait()
                    pltpu.sync_copy(rows_a, acc_sh.at[dst_v.at[i]], add=True)

                    @pl.when(i + 2 < hc)
                    def _():
                        pltpu.async_copy(t_hbm.at[src_v.at[i + 2]], rows_a,
                                         sem_a)

                    pltpu.make_async_copy(t_hbm.at[src_v.at[i + 1]], rows_b,
                                          sem_b).wait()
                    pltpu.sync_copy(rows_b, acc_sh.at[dst_v.at[i + 1]],
                                    add=True)

                continue

            for b in range(nbuf - 1):
                pltpu.async_copy(t_hbm.at[src_v.at[b]], rows[b], sem_g[b])

            @pl.loop(0, hc, step=nbuf)
            def _(i):
                for b in range(nbuf):
                    j = i + b
                    nb = (b + nbuf - 1) % nbuf
                    pltpu.make_async_copy(t_hbm.at[src_v.at[j]], rows[b],
                                          sem_g[b]).wait()

                    def _prefetch():
                        pltpu.async_copy(t_hbm.at[src_v.at[j + nbuf - 1]],
                                         rows[nb], sem_g[nb])

                    if True:
                        pltpu.async_copy(rows[b], acc_sh.at[dst_v.at[j]],
                                         sem_s[b], add=True)
                        if b == 0:
                            @pl.when((i > 0) & (j + nbuf - 1 < hc))
                            def _():
                                pltpu.make_async_copy(
                                    rows[nb], acc_sh.at[dst_v.at[j]],
                                    sem_s[nb]).wait()
                                _prefetch()

                            @pl.when((i == 0) & (j + nbuf - 1 < hc))
                            def _():
                                _prefetch()
                        else:
                            @pl.when(j + nbuf - 1 < hc)
                            def _():
                                pltpu.make_async_copy(
                                    rows[nb], acc_sh.at[dst_v.at[j]],
                                    sem_s[nb]).wait()
                                _prefetch()

            if async_scatter:
                for b in range(nbuf):
                    pltpu.make_async_copy(rows[b], acc_sh.at[dst_v.at[0]],
                                          sem_s[b]).wait()

        plsc.subcore_barrier()
        pltpu.sync_copy(acc_sh.at[pl.ds(s * RPT, RPT)],
                        out_hbm.at[pl.ds(c * NA + s * RPT, RPT)])

    scratch = (
        [pltpu.VMEM((hc, CH), jnp.int32),
         pltpu.VMEM((hc, CH), jnp.int32)]
        + [pltpu.VMEM((CH, H), jnp.float32) for _ in range(nbuf)]
        + [pltpu.VMEM_SHARED((NA, H), jnp.float32)]
        + [pltpu.SemaphoreType.DMA for _ in range(2 * nbuf)]
    )
    cp = (pltpu.CompilerParams(use_tc_tiling_on_sc=False) if linear else None)
    return pl.kernel(
        body,
        out_type=jax.ShapeDtypeStruct((NC * NA, H), jnp.float32),
        mesh=mesh,
        scratch_types=scratch,
        compiler_params=cp,
    )


def _proj_body(x_ref, w_ref, o_ref):
    o_ref[:N] = jnp.dot(x_ref[...], w_ref[...], preferred_element_type=jnp.float32, precision=jax.lax.Precision.HIGHEST)
    o_ref[N:] = jnp.zeros((PAD_ROWS, o_ref.shape[1]), jnp.float32)


def _proj(x, w):
    hp = w.shape[1]
    return pl.pallas_call(
        _proj_body,
        out_shape=jax.ShapeDtypeStruct((NP, hp), jnp.float32),
    )(x, w)


def _layer_body(hw, q_ref, x_ref, wr_ref, b_ref, g_ref, be_ref, wn_ref, t_ref, h_ref):
    a = (q_ref[:N, :hw] + q_ref[NA:NA + N, :hw]
         + jnp.dot(x_ref[...], wr_ref[...], preferred_element_type=jnp.float32, precision=jax.lax.Precision.HIGHEST)
         + b_ref[...])
    mu = jnp.mean(a, axis=0, keepdims=True)
    var = jnp.mean(jnp.square(a - mu), axis=0, keepdims=True)
    h = jnp.maximum((a - mu) / jnp.sqrt(var + EPS) * g_ref[...] + be_ref[...], 0.0)
    h_ref[...] = h
    t_ref[:N] = jnp.dot(h, wn_ref[...], preferred_element_type=jnp.float32, precision=jax.lax.Precision.HIGHEST)
    t_ref[N:] = jnp.zeros((PAD_ROWS, t_ref.shape[1]), jnp.float32)


def _layer(q, hw, x, w_root, b, g, be, w_next):
    hn = w_next.shape[1]
    return pl.pallas_call(
        functools.partial(_layer_body, hw),
        out_shape=(jax.ShapeDtypeStruct((NP, hn), jnp.float32),
                   jax.ShapeDtypeStruct((N, hw), jnp.float32)),
    )(q, x, w_root, b.reshape(1, -1), g.reshape(1, -1), be.reshape(1, -1), w_next)


def _final_body(q_ref, h_ref, wr_ref, b_ref, o_ref):
    o_ref[...] = (q_ref[:N, :OUT] + q_ref[NA:NA + N, :OUT]
                  + jnp.dot(h_ref[...], wr_ref[...],
                            preferred_element_type=jnp.float32, precision=jax.lax.Precision.HIGHEST)
                  + b_ref[...])


def _final(q, h, w_root, b):
    return pl.pallas_call(
        _final_body,
        out_shape=jax.ShapeDtypeStruct((N, OUT), jnp.float32),
    )(q, h, w_root, b.reshape(1, -1))


def kernel(x, edge_index, W1_rel, W1_root, b1, g1, be1, W2_rel, W2_root, b2,
           g2, be2, W3_rel, W3_root, b3):
    src = edge_index[0]
    dst = edge_index[1]
    pad = E_PAD - E
    pad_src = (jnp.arange(pad, dtype=jnp.int32) % PAD_ROWS) + N
    pad_dst = jnp.arange(pad, dtype=jnp.int32) % 1024
    src_p = jnp.concatenate([src, pad_src]).reshape(E_PAD // CH, CH)
    dst_p = jnp.concatenate([dst, pad_dst]).reshape(E_PAD // CH, CH)

    z128 = jnp.zeros((NA, H1), jnp.float32)
    z64 = jnp.zeros((NA, H2), jnp.float32)
    z16 = jnp.zeros((NA, OUT_PAD), jnp.float32)
    w3n = jnp.pad(W3_rel, ((0, 0), (0, OUT_PAD - OUT)))

    t1 = _proj(x, W1_rel)
    q1 = _segsum_sc(H1, async_scatter=False)(t1, src_p, dst_p, z128)
    t2, h1 = _layer(q1, H1, x, W1_root, b1, g1, be1, W2_rel)
    q2 = _segsum_sc(H2, linear=True, nbuf=4, idx_halves=1)(t2, src_p, dst_p, z64)
    t3, h2 = _layer(q2, H2, h1, W2_root, b2, g2, be2, w3n)
    q3 = _segsum_sc(OUT_PAD, linear=True, nbuf=4, idx_halves=1)(t3, src_p, dst_p, z16)
    return _final(q3, h2, W3_root, b3)

# --- scband reference (transcript-rebuilt; emitter-appended) ---
"""Pipeline reference for scband-base-model-27891517620526 (READ-ONLY COPY).

The authoritative reference and input builder live on the scoring server;
editing this copy changes nothing except your own understanding.
"""

import jax, jax.numpy as jnp
import numpy as np

N = 10000
E = 320000
D_IN = 128
H1 = 128
H2 = 64
OUT = 2
EPS = 1e-5


def setup_inputs(seed: int = 0) -> dict:
    key = jax.random.key(seed)
    ks = jax.random.split(key, 16)
    x = jax.random.normal(ks[0], (N, D_IN), dtype=jnp.float32)
    edge_index = jax.random.randint(ks[1], (2, E), 0, N, dtype=jnp.int32)
    def lin(k, fi, fo):
        return jax.random.normal(k, (fi, fo), dtype=jnp.float32) / np.sqrt(fi)
    params = {
        'W1_rel': lin(ks[2], D_IN, H1),
        'W1_root': lin(ks[3], D_IN, H1),
        'b1': jnp.zeros((H1,), dtype=jnp.float32),
        'g1': jnp.ones((H1,), dtype=jnp.float32),
        'be1': jnp.zeros((H1,), dtype=jnp.float32),
        'W2_rel': lin(ks[4], H1, H2),
        'W2_root': lin(ks[5], H1, H2),
        'b2': jnp.zeros((H2,), dtype=jnp.float32),
        'g2': jnp.ones((H2,), dtype=jnp.float32),
        'be2': jnp.zeros((H2,), dtype=jnp.float32),
        'W3_rel': lin(ks[6], H2, OUT),
        'W3_root': lin(ks[7], H2, OUT),
        'b3': jnp.zeros((OUT,), dtype=jnp.float32),
    }
    out = {'x': x, 'edge_index': edge_index}
    out.update(params)
    return out


def _graph_conv(x, src, dst, W_rel, W_root, b):
    # PyG GraphConv: out = lin_rel(sum_{j in N(i)} x_j) + lin_root(x_i)
    msgs = x[src]                                      # gather (SparseCore)
    aggr = jax.ops.segment_sum(msgs, dst, num_segments=N)  # scatter-add
    return aggr @ W_rel + b + x @ W_root


def _batch_norm(x, gamma, beta):
    mu = jnp.mean(x, axis=0)
    var = jnp.var(x, axis=0)
    return (x - mu) / jnp.sqrt(var + EPS) * gamma + beta


def reference(x, edge_index, W1_rel, W1_root, b1, g1, be1, W2_rel, W2_root, b2, g2, be2, W3_rel, W3_root, b3):
    src = edge_index[0]
    dst = edge_index[1]
    h = _graph_conv(x, src, dst, W1_rel, W1_root, b1)
    h = _batch_norm(h, g1, be1)
    h = jax.nn.relu(h)
    h = _graph_conv(h, src, dst, W2_rel, W2_root, b2)
    h = _batch_norm(h, g2, be2)
    h = jax.nn.relu(h)
    out = _graph_conv(h, src, dst, W3_rel, W3_root, b3)
    return out

if __name__ == "__main__":
    import jax
    _d = setup_inputs()
    print(jax.jit(kernel)(*tuple(_d.values())))

</pallas_src>

<mosaic_0001>
#map = affine_map<(d0, d1) -> (0, 0)>
module attributes {stable_mosaic.version = 14 : i64} {
  func.func @body(%arg0: i32, %arg1: i32, %arg2: memref<10240x16xf32, #tpu.memory_space<hbm>>, %arg3: memref<2560x128xi32, #tpu.memory_space<hbm>>, %arg4: memref<2560x128xi32, #tpu.memory_space<hbm>>, %arg5: memref<10112x16xf32, #tpu.memory_space<hbm>>, %arg6: memref<20224x16xf32, #tpu.memory_space<hbm>>, %arg7: memref<80x128xi32, #tpu.memory_space<vmem>>, %arg8: memref<80x128xi32, #tpu.memory_space<vmem>>, %arg9: memref<128x16xf32, #tpu.memory_space<vmem>>, %arg10: memref<128x16xf32, #tpu.memory_space<vmem>>, %arg11: memref<128x16xf32, #tpu.memory_space<vmem>>, %arg12: memref<128x16xf32, #tpu.memory_space<vmem>>, %arg13: memref<10112x16xf32, #tpu.memory_space<vmem_shared>>, %arg14: memref<!tpu.dma_semaphore, #tpu.memory_space<semaphore_mem>>, %arg15: memref<!tpu.dma_semaphore, #tpu.memory_space<semaphore_mem>>, %arg16: memref<!tpu.dma_semaphore, #tpu.memory_space<semaphore_mem>>, %arg17: memref<!tpu.dma_semaphore, #tpu.memory_space<semaphore_mem>>, %arg18: memref<!tpu.dma_semaphore, #tpu.memory_space<semaphore_mem>>, %arg19: memref<!tpu.dma_semaphore, #tpu.memory_space<semaphore_mem>>, %arg20: memref<!tpu.dma_semaphore, #tpu.memory_space<semaphore_mem>>, %arg21: memref<!tpu.dma_semaphore, #tpu.memory_space<semaphore_mem>>) attributes {dimension_semantics = [#tpu.dimension_semantics<core_parallel>, #tpu.dimension_semantics<subcore_parallel>], iteration_bounds = array<i64: 2, 16>, scalar_prefetch = 0 : i64, scratch_operands = 15 : i64, tpu.core_type = #tpu.core_type<sc_vector_subcore>, window_params = [{transform_indices = #map}, {transform_indices = #map}, {transform_indices = #map}, {transform_indices = #map}, {transform_indices = #map}]} {
    %mul3A = arith.constant 16 : i32
    %mul3A_0 = arith.muli %arg0, %mul3A : i32
    %add3A = arith.addi %mul3A_0, %arg1 : i32
    %mul3A_1 = arith.constant 632 : i32
    %mul3A_2 = arith.muli %arg1, %mul3A_1 : i32
    %mul3A_3 = arith.constant 632 : i32
    %mul3A_4 = arith.muli %arg1, %mul3A_3 : i32
    "tpu.region"() ({
      %run_scoped3A = tpu.sem_alloc : memref<!tpu.dma_semaphore, #tpu.memory_space<semaphore_mem>>
      %dma_start3A_72 = arith.constant 0 : i32
      %dma_start3A_73 = tpu.memref_slice %arg13[%mul3A_4, %dma_start3A_72] : memref<10112x16xf32, #tpu.memory_space<vmem_shared>> -> memref<632x16xf32, #tpu.memory_space<vmem_shared>>
      %dma_start3A_74 = arith.constant 0 : i32
      %dma_start3A_75 = tpu.memref_slice %arg5[%mul3A_2, %dma_start3A_74] : memref<10112x16xf32, #tpu.memory_space<hbm>> -> memref<632x16xf32, #tpu.memory_space<hbm>>
      tpu.enqueue_dma source(%dma_start3A_75 : memref<632x16xf32, #tpu.memory_space<hbm>>) target(%dma_start3A_73 : memref<632x16xf32, #tpu.memory_space<vmem_shared>>) target_semaphore(%run_scoped3A : memref<!tpu.dma_semaphore, #tpu.memory_space<semaphore_mem>>)
      %dma_wait3A_76 = arith.constant 0 : i32
      %dma_wait3A_77 = tpu.memref_slice %arg13[%mul3A_4, %dma_wait3A_76] : memref<10112x16xf32, #tpu.memory_space<vmem_shared>> -> memref<632x16xf32, #tpu.memory_space<vmem_shared>>
      %dma_wait3A_78 = arith.constant 0 : i32
      %dma_wait3A_79 = tpu.memref_slice %arg5[%mul3A_2, %dma_wait3A_78] : memref<10112x16xf32, #tpu.memory_space<hbm>> -> memref<632x16xf32, #tpu.memory_space<hbm>>
      tpu.wait_dma2 semaphore(%run_scoped3A : memref<!tpu.dma_semaphore, #tpu.memory_space<semaphore_mem>>) src(%dma_wait3A_79 : memref<632x16xf32, #tpu.memory_space<hbm>>) dst(%dma_wait3A_77 : memref<632x16xf32, #tpu.memory_space<vmem_shared>>)
      tpu.yield
    }) : () -> ()
    %barrier3A = arith.constant 0 : index
    tpu.barrier barrier_id(%barrier3A)
    %mul3A_5 = arith.constant 80 : i32
    %mul3A_6 = arith.muli %add3A, %mul3A_5 : i32
    %add3A_7 = arith.constant 0 : i32
    %add3A_8 = arith.addi %mul3A_6, %add3A_7 : i32
    "tpu.region"() ({
      %run_scoped3A = tpu.sem_alloc : memref<!tpu.dma_semaphore, #tpu.memory_space<semaphore_mem>>
      %dma_start3A_72 = arith.constant 0 : i32
      %dma_start3A_73 = tpu.memref_slice %arg3[%add3A_8, %dma_start3A_72] : memref<2560x128xi32, #tpu.memory_space<hbm>> -> memref<80x128xi32, #tpu.memory_space<hbm>>
      %dma_start3A_74 = arith.constant 0 : i32
      %dma_start3A_75 = tpu.memref_slice %arg3[%add3A_8, %dma_start3A_74] : memref<2560x128xi32, #tpu.memory_space<hbm>> -> memref<80x128xi32, #tpu.memory_space<hbm>>
      tpu.enqueue_dma source(%dma_start3A_75 : memref<80x128xi32, #tpu.memory_space<hbm>>) target(%arg7 : memref<80x128xi32, #tpu.memory_space<vmem>>) target_semaphore(%run_scoped3A : memref<!tpu.dma_semaphore, #tpu.memory_space<semaphore_mem>>)
      %dma_wait3A_76 = arith.constant 0 : i32
      %dma_wait3A_77 = tpu.memref_slice %arg3[%add3A_8, %dma_wait3A_76] : memref<2560x128xi32, #tpu.memory_space<hbm>> -> memref<80x128xi32, #tpu.memory_space<hbm>>
      %dma_wait3A_78 = arith.constant 0 : i32
      %dma_wait3A_79 = tpu.memref_slice %arg3[%add3A_8, %dma_wait3A_78] : memref<2560x128xi32, #tpu.memory_space<hbm>> -> memref<80x128xi32, #tpu.memory_space<hbm>>
      tpu.wait_dma2 semaphore(%run_scoped3A : memref<!tpu.dma_semaphore, #tpu.memory_space<semaphore_mem>>) src(%dma_wait3A_79 : memref<80x128xi32, #tpu.memory_space<hbm>>) dst(%arg7 : memref<80x128xi32, #tpu.memory_space<vmem>>)
      tpu.yield
    }) : () -> ()
    %mul3A_9 = arith.constant 80 : i32
    %mul3A_10 = arith.muli %add3A, %mul3A_9 : i32
    %add3A_11 = arith.constant 0 : i32
    %add3A_12 = arith.addi %mul3A_10, %add3A_11 : i32
    "tpu.region"() ({
      %run_scoped3A = tpu.sem_alloc : memref<!tpu.dma_semaphore, #tpu.memory_space<semaphore_mem>>
      %dma_start3A_72 = arith.constant 0 : i32
      %dma_start3A_73 = tpu.memref_slice %arg4[%add3A_12, %dma_start3A_72] : memref<2560x128xi32, #tpu.memory_space<hbm>> -> memref<80x128xi32, #tpu.memory_space<hbm>>
      %dma_start3A_74 = arith.constant 0 : i32
      %dma_start3A_75 = tpu.memref_slice %arg4[%add3A_12, %dma_start3A_74] : memref<2560x128xi32, #tpu.memory_space<hbm>> -> memref<80x128xi32, #tpu.memory_space<hbm>>
      tpu.enqueue_dma source(%dma_start3A_75 : memref<80x128xi32, #tpu.memory_space<hbm>>) target(%arg8 : memref<80x128xi32, #tpu.memory_space<vmem>>) target_semaphore(%run_scoped3A : memref<!tpu.dma_semaphore, #tpu.memory_space<semaphore_mem>>)
      %dma_wait3A_76 = arith.constant 0 : i32
      %dma_wait3A_77 = tpu.memref_slice %arg4[%add3A_12, %dma_wait3A_76] : memref<2560x128xi32, #tpu.memory_space<hbm>> -> memref<80x128xi32, #tpu.memory_space<hbm>>
      %dma_wait3A_78 = arith.constant 0 : i32
      %dma_wait3A_79 = tpu.memref_slice %arg4[%add3A_12, %dma_wait3A_78] : memref<2560x128xi32, #tpu.memory_space<hbm>> -> memref<80x128xi32, #tpu.memory_space<hbm>>
      tpu.wait_dma2 semaphore(%run_scoped3A : memref<!tpu.dma_semaphore, #tpu.memory_space<semaphore_mem>>) src(%dma_wait3A_79 : memref<80x128xi32, #tpu.memory_space<hbm>>) dst(%arg8 : memref<80x128xi32, #tpu.memory_space<vmem>>)
      tpu.yield
    }) : () -> ()
    %dma_start3A = arith.constant 0 : i32
    %dma_start3A_13 = arith.constant 0 : i32
    %dma_start3A_14 = tpu.memref_slice %arg7[%dma_start3A, %dma_start3A_13] : memref<80x128xi32, #tpu.memory_space<vmem>> -> memref<1x128xi32, #tpu.memory_space<vmem>>
    %dma_start3A_15 = tpu.memref_squeeze %dma_start3A_14 : memref<1x128xi32, #tpu.memory_space<vmem>> -> memref<128xi32, #tpu.memory_space<vmem>>
    %dma_start3A_16 = arith.constant 0 : i32
    %dma_start3A_17 = arith.constant 0 : i32
    %dma_start3A_18 = tpu.memref_slice %arg2[%dma_start3A_16, %dma_start3A_17] : memref<10240x16xf32, #tpu.memory_space<hbm>> -> memref<10240x16xf32, #tpu.memory_space<hbm>>
    tpu.enqueue_indirect_dma source(%dma_start3A_18 : memref<10240x16xf32, #tpu.memory_space<hbm>>) target(%arg9 : memref<128x16xf32, #tpu.memory_space<vmem>>) offsets(%dma_start3A_15 : memref<128xi32, #tpu.memory_space<vmem>>) semaphore(%arg14 : memref<!tpu.dma_semaphore, #tpu.memory_space<semaphore_mem>>)
    %dma_start3A_19 = arith.constant 1 : i32
    %dma_start3A_20 = arith.constant 0 : i32
    %dma_start3A_21 = tpu.memref_slice %arg7[%dma_start3A_19, %dma_start3A_20] : memref<80x128xi32, #tpu.memory_space<vmem>> -> memref<1x128xi32, #tpu.memory_space<vmem>>
    %dma_start3A_22 = tpu.memref_squeeze %dma_start3A_21 : memref<1x128xi32, #tpu.memory_space<vmem>> -> memref<128xi32, #tpu.memory_space<vmem>>
    %dma_start3A_23 = arith.constant 0 : i32
    %dma_start3A_24 = arith.constant 0 : i32
    %dma_start3A_25 = tpu.memref_slice %arg2[%dma_start3A_23, %dma_start3A_24] : memref<10240x16xf32, #tpu.memory_space<hbm>> -> memref<10240x16xf32, #tpu.memory_space<hbm>>
    tpu.enqueue_indirect_dma source(%dma_start3A_25 : memref<10240x16xf32, #tpu.memory_space<hbm>>) target(%arg10 : memref<128x16xf32, #tpu.memory_space<vmem>>) offsets(%dma_start3A_22 : memref<128xi32, #tpu.memory_space<vmem>>) semaphore(%arg15 : memref<!tpu.dma_semaphore, #tpu.memory_space<semaphore_mem>>)
    %dma_start3A_26 = arith.constant 2 : i32
    %dma_start3A_27 = arith.constant 0 : i32
    %dma_start3A_28 = tpu.memref_slice %arg7[%dma_start3A_26, %dma_start3A_27] : memref<80x128xi32, #tpu.memory_space<vmem>> -> memref<1x128xi32, #tpu.memory_space<vmem>>
    %dma_start3A_29 = tpu.memref_squeeze %dma_start3A_28 : memref<1x128xi32, #tpu.memory_space<vmem>> -> memref<128xi32, #tpu.memory_space<vmem>>
    %dma_start3A_30 = arith.constant 0 : i32
    %dma_start3A_31 = arith.constant 0 : i32
    %dma_start3A_32 = tpu.memref_slice %arg2[%dma_start3A_30, %dma_start3A_31] : memref<10240x16xf32, #tpu.memory_space<hbm>> -> memref<10240x16xf32, #tpu.memory_space<hbm>>
    tpu.enqueue_indirect_dma source(%dma_start3A_32 : memref<10240x16xf32, #tpu.memory_space<hbm>>) target(%arg11 : memref<128x16xf32, #tpu.memory_space<vmem>>) offsets(%dma_start3A_29 : memref<128xi32, #tpu.memory_space<vmem>>) semaphore(%arg16 : memref<!tpu.dma_semaphore, #tpu.memory_space<semaphore_mem>>)
    %scan3A = arith.constant 0 : i32
    %scan3A_33 = arith.constant 20 : i32
    %scan3A_34 = arith.addi %scan3A, %scan3A_33 : i32
    %scan3A_35 = arith.constant 1 : i32
    scf.for %scan3A_72 = %scan3A to %scan3A_34 step %scan3A_35  : i32 {
      %mul3A_73 = arith.constant 4 : i32
      %mul3A_74 = arith.muli %scan3A_72, %mul3A_73 : i32
      %add3A_75 = arith.constant 0 : i32
      %add3A_76 = arith.addi %add3A_75, %mul3A_74 : i32
      %add3A_77 = arith.constant 0 : i32
      %add3A_78 = arith.addi %add3A_76, %add3A_77 : i32
      %dma_wait3A_79 = arith.constant 0 : i32
      %dma_wait3A_80 = tpu.memref_slice %arg7[%add3A_78, %dma_wait3A_79] : memref<80x128xi32, #tpu.memory_space<vmem>> -> memref<1x128xi32, #tpu.memory_space<vmem>>
      %dma_wait3A_81 = tpu.memref_squeeze %dma_wait3A_80 : memref<1x128xi32, #tpu.memory_space<vmem>> -> memref<128xi32, #tpu.memory_space<vmem>>
      %dma_wait3A_82 = arith.constant 0 : i32
      %dma_wait3A_83 = arith.constant 0 : i32
      %dma_wait3A_84 = tpu.memref_slice %arg2[%dma_wait3A_82, %dma_wait3A_83] : memref<10240x16xf32, #tpu.memory_space<hbm>> -> memref<10240x16xf32, #tpu.memory_space<hbm>>
      tpu.wait_indirect_dma semaphore(%arg14 : memref<!tpu.dma_semaphore, #tpu.memory_space<semaphore_mem>>) src(%dma_wait3A_84 : memref<10240x16xf32, #tpu.memory_space<hbm>>) dst(%arg9 : memref<128x16xf32, #tpu.memory_space<vmem>>)
      %dma_start3A_85 = arith.constant 0 : i32
      %dma_start3A_86 = tpu.memref_slice %arg8[%add3A_78, %dma_start3A_85] : memref<80x128xi32, #tpu.memory_space<vmem>> -> memref<1x128xi32, #tpu.memory_space<vmem>>
      %dma_start3A_87 = tpu.memref_squeeze %dma_start3A_86 : memref<1x128xi32, #tpu.memory_space<vmem>> -> memref<128xi32, #tpu.memory_space<vmem>>
      %dma_start3A_88 = arith.constant 0 : i32
      %dma_start3A_89 = arith.constant 0 : i32
      %dma_start3A_90 = tpu.memref_slice %arg13[%dma_start3A_88, %dma_start3A_89] : memref<10112x16xf32, #tpu.memory_space<vmem_shared>> -> memref<10112x16xf32, #tpu.memory_space<vmem_shared>>
      tpu.enqueue_indirect_dma source(%arg9 : memref<128x16xf32, #tpu.memory_space<vmem>>) target(%dma_start3A_90 : memref<10112x16xf32, #tpu.memory_space<vmem_shared>>) offsets(%dma_start3A_87 : memref<128xi32, #tpu.memory_space<vmem>>) semaphore(%arg18 : memref<!tpu.dma_semaphore, #tpu.memory_space<semaphore_mem>>) {add = true}
      %gt3A = arith.constant 0 : i32
      %gt3A_91 = arith.cmpi sgt, %add3A_76, %gt3A : i32
      %add3A_92 = arith.constant 4 : i32
      %add3A_93 = arith.addi %add3A_78, %add3A_92 : i32
      %sub3A = arith.constant 1 : i32
      %sub3A_94 = arith.subi %add3A_93, %sub3A : i32
      %lt3A = arith.constant 80 : i32
      %lt3A_95 = arith.cmpi slt, %sub3A_94, %lt3A : i32
      %and3A = arith.andi %gt3A_91, %lt3A_95 : i1
      %convert_element_type3A = arith.extui %and3A : i1 to i32
      %cond3A = arith.constant 0 : i32
      %cond3A_96 = arith.cmpi ne, %convert_element_type3A, %cond3A : i32
      scf.if %cond3A_96 {
        %dma_wait3A_177 = arith.constant 0 : i32
        %dma_wait3A_178 = tpu.memref_slice %arg8[%add3A_78, %dma_wait3A_177] : memref<80x128xi32, #tpu.memory_space<vmem>> -> memref<1x128xi32, #tpu.memory_space<vmem>>
        %dma_wait3A_179 = tpu.memref_squeeze %dma_wait3A_178 : memref<1x128xi32, #tpu.memory_space<vmem>> -> memref<128xi32, #tpu.memory_space<vmem>>
        %dma_wait3A_180 = arith.constant 0 : i32
        %dma_wait3A_181 = arith.constant 0 : i32
        %dma_wait3A_182 = tpu.memref_slice %arg13[%dma_wait3A_180, %dma_wait3A_181] : memref<10112x16xf32, #tpu.memory_space<vmem_shared>> -> memref<10112x16xf32, #tpu.memory_space<vmem_shared>>
        tpu.wait_indirect_dma semaphore(%arg21 : memref<!tpu.dma_semaphore, #tpu.memory_space<semaphore_mem>>) src(%arg12 : memref<128x16xf32, #tpu.memory_space<vmem>>) dst(%dma_wait3A_182 : memref<10112x16xf32, #tpu.memory_space<vmem_shared>>)
        %add3A_183 = arith.constant 4 : i32
        %add3A_184 = arith.addi %add3A_78, %add3A_183 : i32
        %sub3A_185 = arith.constant 1 : i32
        %sub3A_186 = arith.subi %add3A_184, %sub3A_185 : i32
        %dma_start3A_187 = arith.constant 0 : i32
        %dma_start3A_188 = tpu.memref_slice %arg7[%sub3A_186, %dma_start3A_187] : memref<80x128xi32, #tpu.memory_space<vmem>> -> memref<1x128xi32, #tpu.memory_space<vmem>>
        %dma_start3A_189 = tpu.memref_squeeze %dma_start3A_188 : memref<1x128xi32, #tpu.memory_space<vmem>> -> memref<128xi32, #tpu.memory_space<vmem>>
        %dma_start3A_190 = arith.constant 0 : i32
        %dma_start3A_191 = arith.constant 0 : i32
        %dma_start3A_192 = tpu.memref_slice %arg2[%dma_start3A_190, %dma_start3A_191] : memref<10240x16xf32, #tpu.memory_space<hbm>> -> memref<10240x16xf32, #tpu.memory_space<hbm>>
        tpu.enqueue_indirect_dma source(%dma_start3A_192 : memref<10240x16xf32, #tpu.memory_space<hbm>>) target(%arg12 : memref<128x16xf32, #tpu.memory_space<vmem>>) offsets(%dma_start3A_189 : memref<128xi32, #tpu.memory_space<vmem>>) semaphore(%arg17 : memref<!tpu.dma_semaphore, #tpu.memory_space<semaphore_mem>>)
      } else {
      }
      %eq3A = arith.constant 0 : i32
      %eq3A_97 = arith.cmpi eq, %add3A_76, %eq3A : i32
      %add3A_98 = arith.constant 4 : i32
      %add3A_99 = arith.addi %add3A_78, %add3A_98 : i32
      %sub3A_100 = arith.constant 1 : i32
      %sub3A_101 = arith.subi %add3A_99, %sub3A_100 : i32
      %lt3A_102 = arith.constant 80 : i32
      %lt3A_103 = arith.cmpi slt, %sub3A_101, %lt3A_102 : i32
      %and3A_104 = arith.andi %eq3A_97, %lt3A_103 : i1
      %convert_element_type3A_105 = arith.extui %and3A_104 : i1 to i32
      %cond3A_106 = arith.constant 0 : i32
      %cond3A_107 = arith.cmpi ne, %convert_element_type3A_105, %cond3A_106 : i32
      scf.if %cond3A_107 {
        %add3A_177 = arith.constant 4 : i32
        %add3A_178 = arith.addi %add3A_78, %add3A_177 : i32
        %sub3A_179 = arith.constant 1 : i32
        %sub3A_180 = arith.subi %add3A_178, %sub3A_179 : i32
        %dma_start3A_181 = arith.constant 0 : i32
        %dma_start3A_182 = tpu.memref_slice %arg7[%sub3A_180, %dma_start3A_181] : memref<80x128xi32, #tpu.memory_space<vmem>> -> memref<1x128xi32, #tpu.memory_space<vmem>>
        %dma_start3A_183 = tpu.memref_squeeze %dma_start3A_182 : memref<1x128xi32, #tpu.memory_space<vmem>> -> memref<128xi32, #tpu.memory_space<vmem>>
        %dma_start3A_184 = arith.constant 0 : i32
        %dma_start3A_185 = arith.constant 0 : i32
        %dma_start3A_186 = tpu.memref_slice %arg2[%dma_start3A_184, %dma_start3A_185] : memref<10240x16xf32, #tpu.memory_space<hbm>> -> memref<10240x16xf32, #tpu.memory_space<hbm>>
        tpu.enqueue_indirect_dma source(%dma_start3A_186 : memref<10240x16xf32, #tpu.memory_space<hbm>>) target(%arg12 : memref<128x16xf32, #tpu.memory_space<vmem>>) offsets(%dma_start3A_183 : memref<128xi32, #tpu.memory_space<vmem>>) semaphore(%arg17 : memref<!tpu.dma_semaphore, #tpu.memory_space<semaphore_mem>>)
      } else {
      }
      %add3A_108 = arith.constant 1 : i32
      %add3A_109 = arith.addi %add3A_76, %add3A_108 : i32
      %dma_wait3A_110 = arith.constant 0 : i32
      %dma_wait3A_111 = tpu.memref_slice %arg7[%add3A_109, %dma_wait3A_110] : memref<80x128xi32, #tpu.memory_space<vmem>> -> memref<1x128xi32, #tpu.memory_space<vmem>>
      %dma_wait3A_112 = tpu.memref_squeeze %dma_wait3A_111 : memref<1x128xi32, #tpu.memory_space<vmem>> -> memref<128xi32, #tpu.memory_space<vmem>>
      %dma_wait3A_113 = arith.constant 0 : i32
      %dma_wait3A_114 = arith.constant 0 : i32
      %dma_wait3A_115 = tpu.memref_slice %arg2[%dma_wait3A_113, %dma_wait3A_114] : memref<10240x16xf32, #tpu.memory_space<hbm>> -> memref<10240x16xf32, #tpu.memory_space<hbm>>
      tpu.wait_indirect_dma semaphore(%arg15 : memref<!tpu.dma_semaphore, #tpu.memory_space<semaphore_mem>>) src(%dma_wait3A_115 : memref<10240x16xf32, #tpu.memory_space<hbm>>) dst(%arg10 : memref<128x16xf32, #tpu.memory_space<vmem>>)
      %dma_start3A_116 = arith.constant 0 : i32
      %dma_start3A_117 = tpu.memref_slice %arg8[%add3A_109, %dma_start3A_116] : memref<80x128xi32, #tpu.memory_space<vmem>> -> memref<1x128xi32, #tpu.memory_space<vmem>>
      %dma_start3A_118 = tpu.memref_squeeze %dma_start3A_117 : memref<1x128xi32, #tpu.memory_space<vmem>> -> memref<128xi32, #tpu.memory_space<vmem>>
      %dma_start3A_119 = arith.constant 0 : i32
      %dma_start3A_120 = arith.constant 0 : i32
      %dma_start3A_121 = tpu.memref_slice %arg13[%dma_start3A_119, %dma_start3A_120] : memref<10112x16xf32, #tpu.memory_space<vmem_shared>> -> memref<10112x16xf32, #tpu.memory_space<vmem_shared>>
      tpu.enqueue_indirect_dma source(%arg10 : memref<128x16xf32, #tpu.memory_space<vmem>>) target(%dma_start3A_121 : memref<10112x16xf32, #tpu.memory_space<vmem_shared>>) offsets(%dma_start3A_118 : memref<128xi32, #tpu.memory_space<vmem>>) semaphore(%arg19 : memref<!tpu.dma_semaphore, #tpu.memory_space<semaphore_mem>>) {add = true}
      %add3A_122 = arith.constant 4 : i32
      %add3A_123 = arith.addi %add3A_109, %add3A_122 : i32
      %sub3A_124 = arith.constant 1 : i32
      %sub3A_125 = arith.subi %add3A_123, %sub3A_124 : i32
      %lt3A_126 = arith.constant 80 : i32
      %lt3A_127 = arith.cmpi slt, %sub3A_125, %lt3A_126 : i32
      %convert_element_type3A_128 = arith.extui %lt3A_127 : i1 to i32
      %cond3A_129 = arith.constant 0 : i32
      %cond3A_130 = arith.cmpi ne, %convert_element_type3A_128, %cond3A_129 : i32
      scf.if %cond3A_130 {
        %dma_wait3A_177 = arith.constant 0 : i32
        %dma_wait3A_178 = tpu.memref_slice %arg8[%add3A_109, %dma_wait3A_177] : memref<80x128xi32, #tpu.memory_space<vmem>> -> memref<1x128xi32, #tpu.memory_space<vmem>>
        %dma_wait3A_179 = tpu.memref_squeeze %dma_wait3A_178 : memref<1x128xi32, #tpu.memory_space<vmem>> -> memref<128xi32, #tpu.memory_space<vmem>>
        %dma_wait3A_180 = arith.constant 0 : i32
        %dma_wait3A_181 = arith.constant 0 : i32
        %dma_wait3A_182 = tpu.memref_slice %arg13[%dma_wait3A_180, %dma_wait3A_181] : memref<10112x16xf32, #tpu.memory_space<vmem_shared>> -> memref<10112x16xf32, #tpu.memory_space<vmem_shared>>
        tpu.wait_indirect_dma semaphore(%arg18 : memref<!tpu.dma_semaphore, #tpu.memory_space<semaphore_mem>>) src(%arg9 : memref<128x16xf32, #tpu.memory_space<vmem>>) dst(%dma_wait3A_182 : memref<10112x16xf32, #tpu.memory_space<vmem_shared>>)
        %add3A_183 = arith.constant 4 : i32
        %add3A_184 = arith.addi %add3A_109, %add3A_183 : i32
        %sub3A_185 = arith.constant 1 : i32
        %sub3A_186 = arith.subi %add3A_184, %sub3A_185 : i32
        %dma_start3A_187 = arith.constant 0 : i32
        %dma_start3A_188 = tpu.memref_slice %arg7[%sub3A_186, %dma_start3A_187] : memref<80x128xi32, #tpu.memory_space<vmem>> -> memref<1x128xi32, #tpu.memory_space<vmem>>
        %dma_start3A_189 = tpu.memref_squeeze %dma_start3A_188 : memref<1x128xi32, #tpu.memory_space<vmem>> -> memref<128xi32, #tpu.memory_space<vmem>>
        %dma_start3A_190 = arith.constant 0 : i32
        %dma_start3A_191 = arith.constant 0 : i32
        %dma_start3A_192 = tpu.memref_slice %arg2[%dma_start3A_190, %dma_start3A_191] : memref<10240x16xf32, #tpu.memory_space<hbm>> -> memref<10240x16xf32, #tpu.memory_space<hbm>>
        tpu.enqueue_indirect_dma source(%dma_start3A_192 : memref<10240x16xf32, #tpu.memory_space<hbm>>) target(%arg9 : memref<128x16xf32, #tpu.memory_space<vmem>>) offsets(%dma_start3A_189 : memref<128xi32, #tpu.memory_space<vmem>>) semaphore(%arg14 : memref<!tpu.dma_semaphore, #tpu.memory_space<semaphore_mem>>)
      } else {
      }
      %add3A_131 = arith.constant 2 : i32
      %add3A_132 = arith.addi %add3A_76, %add3A_131 : i32
      %dma_wait3A_133 = arith.constant 0 : i32
      %dma_wait3A_134 = tpu.memref_slice %arg7[%add3A_132, %dma_wait3A_133] : memref<80x128xi32, #tpu.memory_space<vmem>> -> memref<1x128xi32, #tpu.memory_space<vmem>>
      %dma_wait3A_135 = tpu.memref_squeeze %dma_wait3A_134 : memref<1x128xi32, #tpu.memory_space<vmem>> -> memref<128xi32, #tpu.memory_space<vmem>>
      %dma_wait3A_136 = arith.constant 0 : i32
      %dma_wait3A_137 = arith.constant 0 : i32
      %dma_wait3A_138 = tpu.memref_slice %arg2[%dma_wait3A_136, %dma_wait3A_137] : memref<10240x16xf32, #tpu.memory_space<hbm>> -> memref<10240x16xf32, #tpu.memory_space<hbm>>
      tpu.wait_indirect_dma semaphore(%arg16 : memref<!tpu.dma_semaphore, #tpu.memory_space<semaphore_mem>>) src(%dma_wait3A_138 : memref<10240x16xf32, #tpu.memory_space<hbm>>) dst(%arg11 : memref<128x16xf32, #tpu.memory_space<vmem>>)
      %dma_start3A_139 = arith.constant 0 : i32
      %dma_start3A_140 = tpu.memref_slice %arg8[%add3A_132, %dma_start3A_139] : memref<80x128xi32, #tpu.memory_space<vmem>> -> memref<1x128xi32, #tpu.memory_space<vmem>>
      %dma_start3A_141 = tpu.memref_squeeze %dma_start3A_140 : memref<1x128xi32, #tpu.memory_space<vmem>> -> memref<128xi32, #tpu.memory_space<vmem>>
      %dma_start3A_142 = arith.constant 0 : i32
      %dma_start3A_143 = arith.constant 0 : i32
      %dma_start3A_144 = tpu.memref_slice %arg13[%dma_start3A_142, %dma_start3A_143] : memref<10112x16xf32, #tpu.memory_space<vmem_shared>> -> memref<10112x16xf32, #tpu.memory_space<vmem_shared>>
      tpu.enqueue_indirect_dma source(%arg11 : memref<128x16xf32, #tpu.memory_space<vmem>>) target(%dma_start3A_144 : memref<10112x16xf32, #tpu.memory_space<vmem_shared>>) offsets(%dma_start3A_141 : memref<128xi32, #tpu.memory_space<vmem>>) semaphore(%arg20 : memref<!tpu.dma_semaphore, #tpu.memory_space<semaphore_mem>>) {add = true}
      %add3A_145 = arith.constant 4 : i32
      %add3A_146 = arith.addi %add3A_132, %add3A_145 : i32
      %sub3A_147 = arith.constant 1 : i32
      %sub3A_148 = arith.subi %add3A_146, %sub3A_147 : i32
      %lt3A_149 = arith.constant 80 : i32
      %lt3A_150 = arith.cmpi slt, %sub3A_148, %lt3A_149 : i32
      %convert_element_type3A_151 = arith.extui %lt3A_150 : i1 to i32
      %cond3A_152 = arith.constant 0 : i32
      %cond3A_153 = arith.cmpi ne, %convert_element_type3A_151, %cond3A_152 : i32
      scf.if %cond3A_153 {
        %dma_wait3A_177 = arith.constant 0 : i32
        %dma_wait3A_178 = tpu.memref_slice %arg8[%add3A_132, %dma_wait3A_177] : memref<80x128xi32, #tpu.memory_space<vmem>> -> memref<1x128xi32, #tpu.memory_space<vmem>>
        %dma_wait3A_179 = tpu.memref_squeeze %dma_wait3A_178 : memref<1x128xi32, #tpu.memory_space<vmem>> -> memref<128xi32, #tpu.memory_space<vmem>>
        %dma_wait3A_180 = arith.constant 0 : i32
        %dma_wait3A_181 = arith.constant 0 : i32
        %dma_wait3A_182 = tpu.memref_slice %arg13[%dma_wait3A_180, %dma_wait3A_181] : memref<10112x16xf32, #tpu.memory_space<vmem_shared>> -> memref<10112x16xf32, #tpu.memory_space<vmem_shared>>
        tpu.wait_indirect_dma semaphore(%arg19 : memref<!tpu.dma_semaphore, #tpu.memory_space<semaphore_mem>>) src(%arg10 : memref<128x16xf32, #tpu.memory_space<vmem>>) dst(%dma_wait3A_182 : memref<10112x16xf32, #tpu.memory_space<vmem_shared>>)
        %add3A_183 = arith.constant 4 : i32
        %add3A_184 = arith.addi %add3A_132, %add3A_183 : i32
        %sub3A_185 = arith.constant 1 : i32
        %sub3A_186 = arith.subi %add3A_184, %sub3A_185 : i32
        %dma_start3A_187 = arith.constant 0 : i32
        %dma_start3A_188 = tpu.memref_slice %arg7[%sub3A_186, %dma_start3A_187] : memref<80x128xi32, #tpu.memory_space<vmem>> -> memref<1x128xi32, #tpu.memory_space<vmem>>
        %dma_start3A_189 = tpu.memref_squeeze %dma_start3A_188 : memref<1x128xi32, #tpu.memory_space<vmem>> -> memref<128xi32, #tpu.memory_space<vmem>>
        %dma_start3A_190 = arith.constant 0 : i32
        %dma_start3A_191 = arith.constant 0 : i32
        %dma_start3A_192 = tpu.memref_slice %arg2[%dma_start3A_190, %dma_start3A_191] : memref<10240x16xf32, #tpu.memory_space<hbm>> -> memref<10240x16xf32, #tpu.memory_space<hbm>>
        tpu.enqueue_indirect_dma source(%dma_start3A_192 : memref<10240x16xf32, #tpu.memory_space<hbm>>) target(%arg10 : memref<128x16xf32, #tpu.memory_space<vmem>>) offsets(%dma_start3A_189 : memref<128xi32, #tpu.memory_space<vmem>>) semaphore(%arg15 : memref<!tpu.dma_semaphore, #tpu.memory_space<semaphore_mem>>)
      } else {
      }
      %add3A_154 = arith.constant 3 : i32
      %add3A_155 = arith.addi %add3A_76, %add3A_154 : i32
      %dma_wait3A_156 = arith.constant 0 : i32
      %dma_wait3A_157 = tpu.memref_slice %arg7[%add3A_155, %dma_wait3A_156] : memref<80x128xi32, #tpu.memory_space<vmem>> -> memref<1x128xi32, #tpu.memory_space<vmem>>
      %dma_wait3A_158 = tpu.memref_squeeze %dma_wait3A_157 : memref<1x128xi32, #tpu.memory_space<vmem>> -> memref<128xi32, #tpu.memory_space<vmem>>
      %dma_wait3A_159 = arith.constant 0 : i32
      %dma_wait3A_160 = arith.constant 0 : i32
      %dma_wait3A_161 = tpu.memref_slice %arg2[%dma_wait3A_159, %dma_wait3A_160] : memref<10240x16xf32, #tpu.memory_space<hbm>> -> memref<10240x16xf32, #tpu.memory_space<hbm>>
      tpu.wait_indirect_dma semaphore(%arg17 : memref<!tpu.dma_semaphore, #tpu.memory_space<semaphore_mem>>) src(%dma_wait3A_161 : memref<10240x16xf32, #tpu.memory_space<hbm>>) dst(%arg12 : memref<128x16xf32, #tpu.memory_space<vmem>>)
      %dma_start3A_162 = arith.constant 0 : i32
      %dma_start3A_163 = tpu.memref_slice %arg8[%add3A_155, %dma_start3A_162] : memref<80x128xi32, #tpu.memory_space<vmem>> -> memref<1x128xi32, #tpu.memory_space<vmem>>
      %dma_start3A_164 = tpu.memref_squeeze %dma_start3A_163 : memref<1x128xi32, #tpu.memory_space<vmem>> -> memref<128xi32, #tpu.memory_space<vmem>>
      %dma_start3A_165 = arith.constant 0 : i32
      %dma_start3A_166 = arith.constant 0 : i32
      %dma_start3A_167 = tpu.memref_slice %arg13[%dma_start3A_165, %dma_start3A_166] : memref<10112x16xf32, #tpu.memory_space<vmem_shared>> -> memref<10112x16xf32, #tpu.memory_space<vmem_shared>>
      tpu.enqueue_indirect_dma source(%arg12 : memref<128x16xf32, #tpu.memory_space<vmem>>) target(%dma_start3A_167 : memref<10112x16xf32, #tpu.memory_space<vmem_shared>>) offsets(%dma_start3A_164 : memref<128xi32, #tpu.memory_space<vmem>>) semaphore(%arg21 : memref<!tpu.dma_semaphore, #tpu.memory_space<semaphore_mem>>) {add = true}
      %add3A_168 = arith.constant 4 : i32
      %add3A_169 = arith.addi %add3A_155, %add3A_168 : i32
      %sub3A_170 = arith.constant 1 : i32
      %sub3A_171 = arith.subi %add3A_169, %sub3A_170 : i32
      %lt3A_172 = arith.constant 80 : i32
      %lt3A_173 = arith.cmpi slt, %sub3A_171, %lt3A_172 : i32
      %convert_element_type3A_174 = arith.extui %lt3A_173 : i1 to i32
      %cond3A_175 = arith.constant 0 : i32
      %cond3A_176 = arith.cmpi ne, %convert_element_type3A_174, %cond3A_175 : i32
      scf.if %cond3A_176 {
        %dma_wait3A_177 = arith.constant 0 : i32
        %dma_wait3A_178 = tpu.memref_slice %arg8[%add3A_155, %dma_wait3A_177] : memref<80x128xi32, #tpu.memory_space<vmem>> -> memref<1x128xi32, #tpu.memory_space<vmem>>
        %dma_wait3A_179 = tpu.memref_squeeze %dma_wait3A_178 : memref<1x128xi32, #tpu.memory_space<vmem>> -> memref<128xi32, #tpu.memory_space<vmem>>
        %dma_wait3A_180 = arith.constant 0 : i32
        %dma_wait3A_181 = arith.constant 0 : i32
        %dma_wait3A_182 = tpu.memref_slice %arg13[%dma_wait3A_180, %dma_wait3A_181] : memref<10112x16xf32, #tpu.memory_space<vmem_shared>> -> memref<10112x16xf32, #tpu.memory_space<vmem_shared>>
        tpu.wait_indirect_dma semaphore(%arg20 : memref<!tpu.dma_semaphore, #tpu.memory_space<semaphore_mem>>) src(%arg11 : memref<128x16xf32, #tpu.memory_space<vmem>>) dst(%dma_wait3A_182 : memref<10112x16xf32, #tpu.memory_space<vmem_shared>>)
        %add3A_183 = arith.constant 4 : i32
        %add3A_184 = arith.addi %add3A_155, %add3A_183 : i32
        %sub3A_185 = arith.constant 1 : i32
        %sub3A_186 = arith.subi %add3A_184, %sub3A_185 : i32
        %dma_start3A_187 = arith.constant 0 : i32
        %dma_start3A_188 = tpu.memref_slice %arg7[%sub3A_186, %dma_start3A_187] : memref<80x128xi32, #tpu.memory_space<vmem>> -> memref<1x128xi32, #tpu.memory_space<vmem>>
        %dma_start3A_189 = tpu.memref_squeeze %dma_start3A_188 : memref<1x128xi32, #tpu.memory_space<vmem>> -> memref<128xi32, #tpu.memory_space<vmem>>
        %dma_start3A_190 = arith.constant 0 : i32
        %dma_start3A_191 = arith.constant 0 : i32
        %dma_start3A_192 = tpu.memref_slice %arg2[%dma_start3A_190, %dma_start3A_191] : memref<10240x16xf32, #tpu.memory_space<hbm>> -> memref<10240x16xf32, #tpu.memory_space<hbm>>
        tpu.enqueue_indirect_dma source(%dma_start3A_192 : memref<10240x16xf32, #tpu.memory_space<hbm>>) target(%arg11 : memref<128x16xf32, #tpu.memory_space<vmem>>) offsets(%dma_start3A_189 : memref<128xi32, #tpu.memory_space<vmem>>) semaphore(%arg16 : memref<!tpu.dma_semaphore, #tpu.memory_space<semaphore_mem>>)
      } else {
      }
    }
    %scan3A_36 = arith.constant 20 : i32
    %dma_wait3A = arith.constant 0 : i32
    %dma_wait3A_37 = arith.constant 0 : i32
    %dma_wait3A_38 = tpu.memref_slice %arg8[%dma_wait3A, %dma_wait3A_37] : memref<80x128xi32, #tpu.memory_space<vmem>> -> memref<1x128xi32, #tpu.memory_space<vmem>>
    %dma_wait3A_39 = tpu.memref_squeeze %dma_wait3A_38 : memref<1x128xi32, #tpu.memory_space<vmem>> -> memref<128xi32, #tpu.memory_space<vmem>>
    %dma_wait3A_40 = arith.constant 0 : i32
    %dma_wait3A_41 = arith.constant 0 : i32
    %dma_wait3A_42 = tpu.memref_slice %arg13[%dma_wait3A_40, %dma_wait3A_41] : memref<10112x16xf32, #tpu.memory_space<vmem_shared>> -> memref<10112x16xf32, #tpu.memory_space<vmem_shared>>
    tpu.wait_indirect_dma semaphore(%arg18 : memref<!tpu.dma_semaphore, #tpu.memory_space<semaphore_mem>>) src(%arg9 : memref<128x16xf32, #tpu.memory_space<vmem>>) dst(%dma_wait3A_42 : memref<10112x16xf32, #tpu.memory_space<vmem_shared>>)
    %dma_wait3A_43 = arith.constant 0 : i32
    %dma_wait3A_44 = arith.constant 0 : i32
    %dma_wait3A_45 = tpu.memref_slice %arg8[%dma_wait3A_43, %dma_wait3A_44] : memref<80x128xi32, #tpu.memory_space<vmem>> -> memref<1x128xi32, #tpu.memory_space<vmem>>
    %dma_wait3A_46 = tpu.memref_squeeze %dma_wait3A_45 : memref<1x128xi32, #tpu.memory_space<vmem>> -> memref<128xi32, #tpu.memory_space<vmem>>
    %dma_wait3A_47 = arith.constant 0 : i32
    %dma_wait3A_48 = arith.constant 0 : i32
    %dma_wait3A_49 = tpu.memref_slice %arg13[%dma_wait3A_47, %dma_wait3A_48] : memref<10112x16xf32, #tpu.memory_space<vmem_shared>> -> memref<10112x16xf32, #tpu.memory_space<vmem_shared>>
    tpu.wait_indirect_dma semaphore(%arg19 : memref<!tpu.dma_semaphore, #tpu.memory_space<semaphore_mem>>) src(%arg10 : memref<128x16xf32, #tpu.memory_space<vmem>>) dst(%dma_wait3A_49 : memref<10112x16xf32, #tpu.memory_space<vmem_shared>>)
    %dma_wait3A_50 = arith.constant 0 : i32
    %dma_wait3A_51 = arith.constant 0 : i32
    %dma_wait3A_52 = tpu.memref_slice %arg8[%dma_wait3A_50, %dma_wait3A_51] : memref<80x128xi32, #tpu.memory_space<vmem>> -> memref<1x128xi32, #tpu.memory_space<vmem>>
    %dma_wait3A_53 = tpu.memref_squeeze %dma_wait3A_52 : memref<1x128xi32, #tpu.memory_space<vmem>> -> memref<128xi32, #tpu.memory_space<vmem>>
    %dma_wait3A_54 = arith.constant 0 : i32
    %dma_wait3A_55 = arith.constant 0 : i32
    %dma_wait3A_56 = tpu.memref_slice %arg13[%dma_wait3A_54, %dma_wait3A_55] : memref<10112x16xf32, #tpu.memory_space<vmem_shared>> -> memref<10112x16xf32, #tpu.memory_space<vmem_shared>>
    tpu.wait_indirect_dma semaphore(%arg20 : memref<!tpu.dma_semaphore, #tpu.memory_space<semaphore_mem>>) src(%arg11 : memref<128x16xf32, #tpu.memory_space<vmem>>) dst(%dma_wait3A_56 : memref<10112x16xf32, #tpu.memory_space<vmem_shared>>)
    %dma_wait3A_57 = arith.constant 0 : i32
    %dma_wait3A_58 = arith.constant 0 : i32
    %dma_wait3A_59 = tpu.memref_slice %arg8[%dma_wait3A_57, %dma_wait3A_58] : memref<80x128xi32, #tpu.memory_space<vmem>> -> memref<1x128xi32, #tpu.memory_space<vmem>>
    %dma_wait3A_60 = tpu.memref_squeeze %dma_wait3A_59 : memref<1x128xi32, #tpu.memory_space<vmem>> -> memref<128xi32, #tpu.memory_space<vmem>>
    %dma_wait3A_61 = arith.constant 0 : i32
    %dma_wait3A_62 = arith.constant 0 : i32
    %dma_wait3A_63 = tpu.memref_slice %arg13[%dma_wait3A_61, %dma_wait3A_62] : memref<10112x16xf32, #tpu.memory_space<vmem_shared>> -> memref<10112x16xf32, #tpu.memory_space<vmem_shared>>
    tpu.wait_indirect_dma semaphore(%arg21 : memref<!tpu.dma_semaphore, #tpu.memory_space<semaphore_mem>>) src(%arg12 : memref<128x16xf32, #tpu.memory_space<vmem>>) dst(%dma_wait3A_63 : memref<10112x16xf32, #tpu.memory_space<vmem_shared>>)
    %barrier3A_64 = arith.constant 0 : index
    tpu.barrier barrier_id(%barrier3A_64)
    %mul3A_65 = arith.constant 632 : i32
    %mul3A_66 = arith.muli %arg1, %mul3A_65 : i32
    %mul3A_67 = arith.constant 10112 : i32
    %mul3A_68 = arith.muli %arg0, %mul3A_67 : i32
    %mul3A_69 = arith.constant 632 : i32
    %mul3A_70 = arith.muli %arg1, %mul3A_69 : i32
    %add3A_71 = arith.addi %mul3A_68, %mul3A_70 : i32
    "tpu.region"() ({
      %run_scoped3A = tpu.sem_alloc : memref<!tpu.dma_semaphore, #tpu.memory_space<semaphore_mem>>
      %dma_start3A_72 = arith.constant 0 : i32
      %dma_start3A_73 = tpu.memref_slice %arg6[%add3A_71, %dma_start3A_72] : memref<20224x16xf32, #tpu.memory_space<hbm>> -> memref<632x16xf32, #tpu.memory_space<hbm>>
      %dma_start3A_74 = arith.constant 0 : i32
      %dma_start3A_75 = tpu.memref_slice %arg13[%mul3A_66, %dma_start3A_74] : memref<10112x16xf32, #tpu.memory_space<vmem_shared>> -> memref<632x16xf32, #tpu.memory_space<vmem_shared>>
      tpu.enqueue_dma source(%dma_start3A_75 : memref<632x16xf32, #tpu.memory_space<vmem_shared>>) target(%dma_start3A_73 : memref<632x16xf32, #tpu.memory_space<hbm>>) target_semaphore(%run_scoped3A : memref<!tpu.dma_semaphore, #tpu.memory_space<semaphore_mem>>)
      %dma_wait3A_76 = arith.constant 0 : i32
      %dma_wait3A_77 = tpu.memref_slice %arg6[%add3A_71, %dma_wait3A_76] : memref<20224x16xf32, #tpu.memory_space<hbm>> -> memref<632x16xf32, #tpu.memory_space<hbm>>
      %dma_wait3A_78 = arith.constant 0 : i32
      %dma_wait3A_79 = tpu.memref_slice %arg13[%mul3A_66, %dma_wait3A_78] : memref<10112x16xf32, #tpu.memory_space<vmem_shared>> -> memref<632x16xf32, #tpu.memory_space<vmem_shared>>
      tpu.wait_dma2 semaphore(%run_scoped3A : memref<!tpu.dma_semaphore, #tpu.memory_space<semaphore_mem>>) src(%dma_wait3A_79 : memref<632x16xf32, #tpu.memory_space<vmem_shared>>) dst(%dma_wait3A_77 : memref<632x16xf32, #tpu.memory_space<hbm>>)
      tpu.yield
    }) : () -> ()
    return
  }
}

#map = affine_map<(d0, d1) -> (0, 0)>
module attributes {stable_mosaic.version = 14 : i64} {
  func.func @body(%arg0: i32, %arg1: i32, %arg2: memref<10240x128xf32, #tpu.memory_space<hbm>>, %arg3: memref<2560x128xi32, #tpu.memory_space<hbm>>, %arg4: memref<2560x128xi32, #tpu.memory_space<hbm>>, %arg5: memref<10112x128xf32, #tpu.memory_space<hbm>>, %arg6: memref<20224x128xf32, #tpu.memory_space<hbm>>, %arg7: memref<40x128xi32, #tpu.memory_space<vmem>>, %arg8: memref<40x128xi32, #tpu.memory_space<vmem>>, %arg9: memref<128x128xf32, #tpu.memory_space<vmem>>, %arg10: memref<128x128xf32, #tpu.memory_space<vmem>>, %arg11: memref<10112x128xf32, #tpu.memory_space<vmem_shared>>, %arg12: memref<!tpu.dma_semaphore, #tpu.memory_space<semaphore_mem>>, %arg13: memref<!tpu.dma_semaphore, #tpu.memory_space<semaphore_mem>>, %arg14: memref<!tpu.dma_semaphore, #tpu.memory_space<semaphore_mem>>, %arg15: memref<!tpu.dma_semaphore, #tpu.memory_space<semaphore_mem>>) attributes {dimension_semantics = [#tpu.dimension_semantics<core_parallel>, #tpu.dimension_semantics<subcore_parallel>], iteration_bounds = array<i64: 2, 16>, scalar_prefetch = 0 : i64, scratch_operands = 9 : i64, tpu.core_type = #tpu.core_type<sc_vector_subcore>, window_params = [{transform_indices = #map}, {transform_indices = #map}, {transform_indices = #map}, {transform_indices = #map}, {transform_indices = #map}]} {
    %mul3A = arith.constant 16 : i32
    %mul3A_0 = arith.muli %arg0, %mul3A : i32
    %add3A = arith.addi %mul3A_0, %arg1 : i32
    %mul3A_1 = arith.constant 632 : i32
    %mul3A_2 = arith.muli %arg1, %mul3A_1 : i32
    %mul3A_3 = arith.constant 632 : i32
    %mul3A_4 = arith.muli %arg1, %mul3A_3 : i32
    "tpu.region"() ({
      %run_scoped3A = tpu.sem_alloc : memref<!tpu.dma_semaphore, #tpu.memory_space<semaphore_mem>>
      %dma_start3A_51 = arith.constant 0 : i32
      %dma_start3A_52 = tpu.memref_slice %arg11[%mul3A_4, %dma_start3A_51] : memref<10112x128xf32, #tpu.memory_space<vmem_shared>> -> memref<632x128xf32, #tpu.memory_space<vmem_shared>>
      %dma_start3A_53 = arith.constant 0 : i32
      %dma_start3A_54 = tpu.memref_slice %arg5[%mul3A_2, %dma_start3A_53] : memref<10112x128xf32, #tpu.memory_space<hbm>> -> memref<632x128xf32, #tpu.memory_space<hbm>>
      tpu.enqueue_dma source(%dma_start3A_54 : memref<632x128xf32, #tpu.memory_space<hbm>>) target(%dma_start3A_52 : memref<632x128xf32, #tpu.memory_space<vmem_shared>>) target_semaphore(%run_scoped3A : memref<!tpu.dma_semaphore, #tpu.memory_space<semaphore_mem>>)
      %dma_wait3A = arith.constant 0 : i32
      %dma_wait3A_55 = tpu.memref_slice %arg11[%mul3A_4, %dma_wait3A] : memref<10112x128xf32, #tpu.memory_space<vmem_shared>> -> memref<632x128xf32, #tpu.memory_space<vmem_shared>>
      %dma_wait3A_56 = arith.constant 0 : i32
      %dma_wait3A_57 = tpu.memref_slice %arg5[%mul3A_2, %dma_wait3A_56] : memref<10112x128xf32, #tpu.memory_space<hbm>> -> memref<632x128xf32, #tpu.memory_space<hbm>>
      tpu.wait_dma2 semaphore(%run_scoped3A : memref<!tpu.dma_semaphore, #tpu.memory_space<semaphore_mem>>) src(%dma_wait3A_57 : memref<632x128xf32, #tpu.memory_space<hbm>>) dst(%dma_wait3A_55 : memref<632x128xf32, #tpu.memory_space<vmem_shared>>)
      tpu.yield
    }) : () -> ()
    %barrier3A = arith.constant 0 : index
    tpu.barrier barrier_id(%barrier3A)
    %mul3A_5 = arith.constant 80 : i32
    %mul3A_6 = arith.muli %add3A, %mul3A_5 : i32
    %add3A_7 = arith.constant 0 : i32
    %add3A_8 = arith.addi %mul3A_6, %add3A_7 : i32
    "tpu.region"() ({
      %run_scoped3A = tpu.sem_alloc : memref<!tpu.dma_semaphore, #tpu.memory_space<semaphore_mem>>
      %dma_start3A_51 = arith.constant 0 : i32
      %dma_start3A_52 = tpu.memref_slice %arg3[%add3A_8, %dma_start3A_51] : memref<2560x128xi32, #tpu.memory_space<hbm>> -> memref<40x128xi32, #tpu.memory_space<hbm>>
      %dma_start3A_53 = arith.constant 0 : i32
      %dma_start3A_54 = tpu.memref_slice %arg3[%add3A_8, %dma_start3A_53] : memref<2560x128xi32, #tpu.memory_space<hbm>> -> memref<40x128xi32, #tpu.memory_space<hbm>>
      tpu.enqueue_dma source(%dma_start3A_54 : memref<40x128xi32, #tpu.memory_space<hbm>>) target(%arg7 : memref<40x128xi32, #tpu.memory_space<vmem>>) target_semaphore(%run_scoped3A : memref<!tpu.dma_semaphore, #tpu.memory_space<semaphore_mem>>)
      %dma_wait3A = arith.constant 0 : i32
      %dma_wait3A_55 = tpu.memref_slice %arg3[%add3A_8, %dma_wait3A] : memref<2560x128xi32, #tpu.memory_space<hbm>> -> memref<40x128xi32, #tpu.memory_space<hbm>>
      %dma_wait3A_56 = arith.constant 0 : i32
      %dma_wait3A_57 = tpu.memref_slice %arg3[%add3A_8, %dma_wait3A_56] : memref<2560x128xi32, #tpu.memory_space<hbm>> -> memref<40x128xi32, #tpu.memory_space<hbm>>
      tpu.wait_dma2 semaphore(%run_scoped3A : memref<!tpu.dma_semaphore, #tpu.memory_space<semaphore_mem>>) src(%dma_wait3A_57 : memref<40x128xi32, #tpu.memory_space<hbm>>) dst(%arg7 : memref<40x128xi32, #tpu.memory_space<vmem>>)
      tpu.yield
    }) : () -> ()
    %mul3A_9 = arith.constant 80 : i32
    %mul3A_10 = arith.muli %add3A, %mul3A_9 : i32
    %add3A_11 = arith.constant 0 : i32
    %add3A_12 = arith.addi %mul3A_10, %add3A_11 : i32
    "tpu.region"() ({
      %run_scoped3A = tpu.sem_alloc : memref<!tpu.dma_semaphore, #tpu.memory_space<semaphore_mem>>
      %dma_start3A_51 = arith.constant 0 : i32
      %dma_start3A_52 = tpu.memref_slice %arg4[%add3A_12, %dma_start3A_51] : memref<2560x128xi32, #tpu.memory_space<hbm>> -> memref<40x128xi32, #tpu.memory_space<hbm>>
      %dma_start3A_53 = arith.constant 0 : i32
      %dma_start3A_54 = tpu.memref_slice %arg4[%add3A_12, %dma_start3A_53] : memref<2560x128xi32, #tpu.memory_space<hbm>> -> memref<40x128xi32, #tpu.memory_space<hbm>>
      tpu.enqueue_dma source(%dma_start3A_54 : memref<40x128xi32, #tpu.memory_space<hbm>>) target(%arg8 : memref<40x128xi32, #tpu.memory_space<vmem>>) target_semaphore(%run_scoped3A : memref<!tpu.dma_semaphore, #tpu.memory_space<semaphore_mem>>)
      %dma_wait3A = arith.constant 0 : i32
      %dma_wait3A_55 = tpu.memref_slice %arg4[%add3A_12, %dma_wait3A] : memref<2560x128xi32, #tpu.memory_space<hbm>> -> memref<40x128xi32, #tpu.memory_space<hbm>>
      %dma_wait3A_56 = arith.constant 0 : i32
      %dma_wait3A_57 = tpu.memref_slice %arg4[%add3A_12, %dma_wait3A_56] : memref<2560x128xi32, #tpu.memory_space<hbm>> -> memref<40x128xi32, #tpu.memory_space<hbm>>
      tpu.wait_dma2 semaphore(%run_scoped3A : memref<!tpu.dma_semaphore, #tpu.memory_space<semaphore_mem>>) src(%dma_wait3A_57 : memref<40x128xi32, #tpu.memory_space<hbm>>) dst(%arg8 : memref<40x128xi32, #tpu.memory_space<vmem>>)
      tpu.yield
    }) : () -> ()
    %dma_start3A = arith.constant 0 : i32
    %dma_start3A_13 = arith.constant 0 : i32
    %dma_start3A_14 = tpu.memref_slice %arg7[%dma_start3A, %dma_start3A_13] : memref<40x128xi32, #tpu.memory_space<vmem>> -> memref<1x128xi32, #tpu.memory_space<vmem>>
    %dma_start3A_15 = tpu.memref_squeeze %dma_start3A_14 : memref<1x128xi32, #tpu.memory_space<vmem>> -> memref<128xi32, #tpu.memory_space<vmem>>
    %dma_start3A_16 = arith.constant 0 : i32
    %dma_start3A_17 = arith.constant 0 : i32
    %dma_start3A_18 = tpu.memref_slice %arg2[%dma_start3A_16, %dma_start3A_17] : memref<10240x128xf32, #tpu.memory_space<hbm>> -> memref<10240x128xf32, #tpu.memory_space<hbm>>
    tpu.enqueue_indirect_dma source(%dma_start3A_18 : memref<10240x128xf32, #tpu.memory_space<hbm>>) target(%arg9 : memref<128x128xf32, #tpu.memory_space<vmem>>) offsets(%dma_start3A_15 : memref<128xi32, #tpu.memory_space<vmem>>) semaphore(%arg12 : memref<!tpu.dma_semaphore, #tpu.memory_space<semaphore_mem>>)
    %scan3A = arith.constant 0 : i32
    %scan3A_19 = arith.constant 20 : i32
    %scan3A_20 = arith.addi %scan3A, %scan3A_19 : i32
    %scan3A_21 = arith.constant 1 : i32
    scf.for %scan3A_51 = %scan3A to %scan3A_20 step %scan3A_21  : i32 {
      %mul3A_52 = arith.constant 2 : i32
      %mul3A_53 = arith.muli %scan3A_51, %mul3A_52 : i32
      %add3A_54 = arith.constant 0 : i32
      %add3A_55 = arith.addi %add3A_54, %mul3A_53 : i32
      %add3A_56 = arith.constant 1 : i32
      %add3A_57 = arith.addi %add3A_55, %add3A_56 : i32
      %dma_start3A_58 = arith.constant 0 : i32
      %dma_start3A_59 = tpu.memref_slice %arg7[%add3A_57, %dma_start3A_58] : memref<40x128xi32, #tpu.memory_space<vmem>> -> memref<1x128xi32, #tpu.memory_space<vmem>>
      %dma_start3A_60 = tpu.memref_squeeze %dma_start3A_59 : memref<1x128xi32, #tpu.memory_space<vmem>> -> memref<128xi32, #tpu.memory_space<vmem>>
      %dma_start3A_61 = arith.constant 0 : i32
      %dma_start3A_62 = arith.constant 0 : i32
      %dma_start3A_63 = tpu.memref_slice %arg2[%dma_start3A_61, %dma_start3A_62] : memref<10240x128xf32, #tpu.memory_space<hbm>> -> memref<10240x128xf32, #tpu.memory_space<hbm>>
      tpu.enqueue_indirect_dma source(%dma_start3A_63 : memref<10240x128xf32, #tpu.memory_space<hbm>>) target(%arg10 : memref<128x128xf32, #tpu.memory_space<vmem>>) offsets(%dma_start3A_60 : memref<128xi32, #tpu.memory_space<vmem>>) semaphore(%arg13 : memref<!tpu.dma_semaphore, #tpu.memory_space<semaphore_mem>>)
      %dma_wait3A = arith.constant 0 : i32
      %dma_wait3A_64 = tpu.memref_slice %arg7[%add3A_55, %dma_wait3A] : memref<40x128xi32, #tpu.memory_space<vmem>> -> memref<1x128xi32, #tpu.memory_space<vmem>>
      %dma_wait3A_65 = tpu.memref_squeeze %dma_wait3A_64 : memref<1x128xi32, #tpu.memory_space<vmem>> -> memref<128xi32, #tpu.memory_space<vmem>>
      %dma_wait3A_66 = arith.constant 0 : i32
      %dma_wait3A_67 = arith.constant 0 : i32
      %dma_wait3A_68 = tpu.memref_slice %arg2[%dma_wait3A_66, %dma_wait3A_67] : memref<10240x128xf32, #tpu.memory_space<hbm>> -> memref<10240x128xf32, #tpu.memory_space<hbm>>
      tpu.wait_indirect_dma semaphore(%arg12 : memref<!tpu.dma_semaphore, #tpu.memory_space<semaphore_mem>>) src(%dma_wait3A_68 : memref<10240x128xf32, #tpu.memory_space<hbm>>) dst(%arg9 : memref<128x128xf32, #tpu.memory_space<vmem>>)
      "tpu.region"() ({
        %run_scoped3A = tpu.sem_alloc : memref<!tpu.dma_semaphore, #tpu.memory_space<semaphore_mem>>
        %dma_start3A_83 = arith.constant 0 : i32
        %dma_start3A_84 = tpu.memref_slice %arg8[%add3A_55, %dma_start3A_83] : memref<40x128xi32, #tpu.memory_space<vmem>> -> memref<1x128xi32, #tpu.memory_space<vmem>>
        %dma_start3A_85 = tpu.memref_squeeze %dma_start3A_84 : memref<1x128xi32, #tpu.memory_space<vmem>> -> memref<128xi32, #tpu.memory_space<vmem>>
        %dma_start3A_86 = arith.constant 0 : i32
        %dma_start3A_87 = arith.constant 0 : i32
        %dma_start3A_88 = tpu.memref_slice %arg11[%dma_start3A_86, %dma_start3A_87] : memref<10112x128xf32, #tpu.memory_space<vmem_shared>> -> memref<10112x128xf32, #tpu.memory_space<vmem_shared>>
        tpu.enqueue_indirect_dma source(%arg9 : memref<128x128xf32, #tpu.memory_space<vmem>>) target(%dma_start3A_88 : memref<10112x128xf32, #tpu.memory_space<vmem_shared>>) offsets(%dma_start3A_85 : memref<128xi32, #tpu.memory_space<vmem>>) semaphore(%run_scoped3A : memref<!tpu.dma_semaphore, #tpu.memory_space<semaphore_mem>>) {add = true}
        %dma_wait3A_89 = arith.constant 0 : i32
        %dma_wait3A_90 = tpu.memref_slice %arg8[%add3A_55, %dma_wait3A_89] : memref<40x128xi32, #tpu.memory_space<vmem>> -> memref<1x128xi32, #tpu.memory_space<vmem>>
        %dma_wait3A_91 = tpu.memref_squeeze %dma_wait3A_90 : memref<1x128xi32, #tpu.memory_space<vmem>> -> memref<128xi32, #tpu.memory_space<vmem>>
        %dma_wait3A_92 = arith.constant 0 : i32
        %dma_wait3A_93 = arith.constant 0 : i32
        %dma_wait3A_94 = tpu.memref_slice %arg11[%dma_wait3A_92, %dma_wait3A_93] : memref<10112x128xf32, #tpu.memory_space<vmem_shared>> -> memref<10112x128xf32, #tpu.memory_space<vmem_shared>>
        tpu.wait_indirect_dma semaphore(%run_scoped3A : memref<!tpu.dma_semaphore, #tpu.memory_space<semaphore_mem>>) src(%arg9 : memref<128x128xf32, #tpu.memory_space<vmem>>) dst(%dma_wait3A_94 : memref<10112x128xf32, #tpu.memory_space<vmem_shared>>)
        tpu.yield
      }) : () -> ()
      %add3A_69 = arith.constant 2 : i32
      %add3A_70 = arith.addi %add3A_55, %add3A_69 : i32
      %lt3A = arith.constant 40 : i32
      %lt3A_71 = arith.cmpi slt, %add3A_70, %lt3A : i32
      %convert_element_type3A = arith.extui %lt3A_71 : i1 to i32
      %cond3A = arith.constant 0 : i32
      %cond3A_72 = arith.cmpi ne, %convert_element_type3A, %cond3A : i32
      scf.if %cond3A_72 {
        %add3A_83 = arith.constant 2 : i32
        %add3A_84 = arith.addi %add3A_55, %add3A_83 : i32
        %dma_start3A_85 = arith.constant 0 : i32
        %dma_start3A_86 = tpu.memref_slice %arg7[%add3A_84, %dma_start3A_85] : memref<40x128xi32, #tpu.memory_space<vmem>> -> memref<1x128xi32, #tpu.memory_space<vmem>>
        %dma_start3A_87 = tpu.memref_squeeze %dma_start3A_86 : memref<1x128xi32, #tpu.memory_space<vmem>> -> memref<128xi32, #tpu.memory_space<vmem>>
        %dma_start3A_88 = arith.constant 0 : i32
        %dma_start3A_89 = arith.constant 0 : i32
        %dma_start3A_90 = tpu.memref_slice %arg2[%dma_start3A_88, %dma_start3A_89] : memref<10240x128xf32, #tpu.memory_space<hbm>> -> memref<10240x128xf32, #tpu.memory_space<hbm>>
        tpu.enqueue_indirect_dma source(%dma_start3A_90 : memref<10240x128xf32, #tpu.memory_space<hbm>>) target(%arg9 : memref<128x128xf32, #tpu.memory_space<vmem>>) offsets(%dma_start3A_87 : memref<128xi32, #tpu.memory_space<vmem>>) semaphore(%arg12 : memref<!tpu.dma_semaphore, #tpu.memory_space<semaphore_mem>>)
      } else {
      }
      %add3A_73 = arith.constant 1 : i32
      %add3A_74 = arith.addi %add3A_55, %add3A_73 : i32
      %dma_wait3A_75 = arith.constant 0 : i32
      %dma_wait3A_76 = tpu.memref_slice %arg7[%add3A_74, %dma_wait3A_75] : memref<40x128xi32, #tpu.memory_space<vmem>> -> memref<1x128xi32, #tpu.memory_space<vmem>>
      %dma_wait3A_77 = tpu.memref_squeeze %dma_wait3A_76 : memref<1x128xi32, #tpu.memory_space<vmem>> -> memref<128xi32, #tpu.memory_space<vmem>>
      %dma_wait3A_78 = arith.constant 0 : i32
      %dma_wait3A_79 = arith.constant 0 : i32
      %dma_wait3A_80 = tpu.memref_slice %arg2[%dma_wait3A_78, %dma_wait3A_79] : memref<10240x128xf32, #tpu.memory_space<hbm>> -> memref<10240x128xf32, #tpu.memory_space<hbm>>
      tpu.wait_indirect_dma semaphore(%arg13 : memref<!tpu.dma_semaphore, #tpu.memory_space<semaphore_mem>>) src(%dma_wait3A_80 : memref<10240x128xf32, #tpu.memory_space<hbm>>) dst(%arg10 : memref<128x128xf32, #tpu.memory_space<vmem>>)
      %add3A_81 = arith.constant 1 : i32
      %add3A_82 = arith.addi %add3A_55, %add3A_81 : i32
      "tpu.region"() ({
        %run_scoped3A = tpu.sem_alloc : memref<!tpu.dma_semaphore, #tpu.memory_space<semaphore_mem>>
        %dma_start3A_83 = arith.constant 0 : i32
        %dma_start3A_84 = tpu.memref_slice %arg8[%add3A_82, %dma_start3A_83] : memref<40x128xi32, #tpu.memory_space<vmem>> -> memref<1x128xi32, #tpu.memory_space<vmem>>
        %dma_start3A_85 = tpu.memref_squeeze %dma_start3A_84 : memref<1x128xi32, #tpu.memory_space<vmem>> -> memref<128xi32, #tpu.memory_space<vmem>>
        %dma_start3A_86 = arith.constant 0 : i32
        %dma_start3A_87 = arith.constant 0 : i32
        %dma_start3A_88 = tpu.memref_slice %arg11[%dma_start3A_86, %dma_start3A_87] : memref<10112x128xf32, #tpu.memory_space<vmem_shared>> -> memref<10112x128xf32, #tpu.memory_space<vmem_shared>>
        tpu.enqueue_indirect_dma source(%arg10 : memref<128x128xf32, #tpu.memory_space<vmem>>) target(%dma_start3A_88 : memref<10112x128xf32, #tpu.memory_space<vmem_shared>>) offsets(%dma_start3A_85 : memref<128xi32, #tpu.memory_space<vmem>>) semaphore(%run_scoped3A : memref<!tpu.dma_semaphore, #tpu.memory_space<semaphore_mem>>) {add = true}
        %dma_wait3A_89 = arith.constant 0 : i32
        %dma_wait3A_90 = tpu.memref_slice %arg8[%add3A_82, %dma_wait3A_89] : memref<40x128xi32, #tpu.memory_space<vmem>> -> memref<1x128xi32, #tpu.memory_space<vmem>>
        %dma_wait3A_91 = tpu.memref_squeeze %dma_wait3A_90 : memref<1x128xi32, #tpu.memory_space<vmem>> -> memref<128xi32, #tpu.memory_space<vmem>>
        %dma_wait3A_92 = arith.constant 0 : i32
        %dma_wait3A_93 = arith.constant 0 : i32
        %dma_wait3A_94 = tpu.memref_slice %arg11[%dma_wait3A_92, %dma_wait3A_93] : memref<10112x128xf32, #tpu.memory_space<vmem_shared>> -> memref<10112x128xf32, #tpu.memory_space<vmem_shared>>
        tpu.wait_indirect_dma semaphore(%run_scoped3A : memref<!tpu.dma_semaphore, #tpu.memory_space<semaphore_mem>>) src(%arg10 : memref<128x128xf32, #tpu.memory_space<vmem>>) dst(%dma_wait3A_94 : memref<10112x128xf32, #tpu.memory_space<vmem_shared>>)
        tpu.yield
      }) : () -> ()
    }
    %scan3A_22 = arith.constant 20 : i32
    %mul3A_23 = arith.constant 80 : i32
    %mul3A_24 = arith.muli %add3A, %mul3A_23 : i32
    %add3A_25 = arith.constant 40 : i32
    %add3A_26 = arith.addi %mul3A_24, %add3A_25 : i32
    "tpu.region"() ({
      %run_scoped3A = tpu.sem_alloc : memref<!tpu.dma_semaphore, #tpu.memory_space<semaphore_mem>>
      %dma_start3A_51 = arith.constant 0 : i32
      %dma_start3A_52 = tpu.memref_slice %arg3[%add3A_26, %dma_start3A_51] : memref<2560x128xi32, #tpu.memory_space<hbm>> -> memref<40x128xi32, #tpu.memory_space<hbm>>
      %dma_start3A_53 = arith.constant 0 : i32
      %dma_start3A_54 = tpu.memref_slice %arg3[%add3A_26, %dma_start3A_53] : memref<2560x128xi32, #tpu.memory_space<hbm>> -> memref<40x128xi32, #tpu.memory_space<hbm>>
      tpu.enqueue_dma source(%dma_start3A_54 : memref<40x128xi32, #tpu.memory_space<hbm>>) target(%arg7 : memref<40x128xi32, #tpu.memory_space<vmem>>) target_semaphore(%run_scoped3A : memref<!tpu.dma_semaphore, #tpu.memory_space<semaphore_mem>>)
      %dma_wait3A = arith.constant 0 : i32
      %dma_wait3A_55 = tpu.memref_slice %arg3[%add3A_26, %dma_wait3A] : memref<2560x128xi32, #tpu.memory_space<hbm>> -> memref<40x128xi32, #tpu.memory_space<hbm>>
      %dma_wait3A_56 = arith.constant 0 : i32
      %dma_wait3A_57 = tpu.memref_slice %arg3[%add3A_26, %dma_wait3A_56] : memref<2560x128xi32, #tpu.memory_space<hbm>> -> memref<40x128xi32, #tpu.memory_space<hbm>>
      tpu.wait_dma2 semaphore(%run_scoped3A : memref<!tpu.dma_semaphore, #tpu.memory_space<semaphore_mem>>) src(%dma_wait3A_57 : memref<40x128xi32, #tpu.memory_space<hbm>>) dst(%arg7 : memref<40x128xi32, #tpu.memory_space<vmem>>)
      tpu.yield
    }) : () -> ()
    %mul3A_27 = arith.constant 80 : i32
    %mul3A_28 = arith.muli %add3A, %mul3A_27 : i32
    %add3A_29 = arith.constant 40 : i32
    %add3A_30 = arith.addi %mul3A_28, %add3A_29 : i32
    "tpu.region"() ({
      %run_scoped3A = tpu.sem_alloc : memref<!tpu.dma_semaphore, #tpu.memory_space<semaphore_mem>>
      %dma_start3A_51 = arith.constant 0 : i32
      %dma_start3A_52 = tpu.memref_slice %arg4[%add3A_30, %dma_start3A_51] : memref<2560x128xi32, #tpu.memory_space<hbm>> -> memref<40x128xi32, #tpu.memory_space<hbm>>
      %dma_start3A_53 = arith.constant 0 : i32
      %dma_start3A_54 = tpu.memref_slice %arg4[%add3A_30, %dma_start3A_53] : memref<2560x128xi32, #tpu.memory_space<hbm>> -> memref<40x128xi32, #tpu.memory_space<hbm>>
      tpu.enqueue_dma source(%dma_start3A_54 : memref<40x128xi32, #tpu.memory_space<hbm>>) target(%arg8 : memref<40x128xi32, #tpu.memory_space<vmem>>) target_semaphore(%run_scoped3A : memref<!tpu.dma_semaphore, #tpu.memory_space<semaphore_mem>>)
      %dma_wait3A = arith.constant 0 : i32
      %dma_wait3A_55 = tpu.memref_slice %arg4[%add3A_30, %dma_wait3A] : memref<2560x128xi32, #tpu.memory_space<hbm>> -> memref<40x128xi32, #tpu.memory_space<hbm>>
      %dma_wait3A_56 = arith.constant 0 : i32
      %dma_wait3A_57 = tpu.memref_slice %arg4[%add3A_30, %dma_wait3A_56] : memref<2560x128xi32, #tpu.memory_space<hbm>> -> memref<40x128xi32, #tpu.memory_space<hbm>>
      tpu.wait_dma2 semaphore(%run_scoped3A : memref<!tpu.dma_semaphore, #tpu.memory_space<semaphore_mem>>) src(%dma_wait3A_57 : memref<40x128xi32, #tpu.memory_space<hbm>>) dst(%arg8 : memref<40x128xi32, #tpu.memory_space<vmem>>)
      tpu.yield
    }) : () -> ()
    %dma_start3A_31 = arith.constant 0 : i32
    %dma_start3A_32 = arith.constant 0 : i32
    %dma_start3A_33 = tpu.memref_slice %arg7[%dma_start3A_31, %dma_start3A_32] : memref<40x128xi32, #tpu.memory_space<vmem>> -> memref<1x128xi32, #tpu.memory_space<vmem>>
    %dma_start3A_34 = tpu.memref_squeeze %dma_start3A_33 : memref<1x128xi32, #tpu.memory_space<vmem>> -> memref<128xi32, #tpu.memory_space<vmem>>
    %dma_start3A_35 = arith.constant 0 : i32
    %dma_start3A_36 = arith.constant 0 : i32
    %dma_start3A_37 = tpu.memref_slice %arg2[%dma_start3A_35, %dma_start3A_36] : memref<10240x128xf32, #tpu.memory_space<hbm>> -> memref<10240x128xf32, #tpu.memory_space<hbm>>
    tpu.enqueue_indirect_dma source(%dma_start3A_37 : memref<10240x128xf32, #tpu.memory_space<hbm>>) target(%arg9 : memref<128x128xf32, #tpu.memory_space<vmem>>) offsets(%dma_start3A_34 : memref<128xi32, #tpu.memory_space<vmem>>) semaphore(%arg12 : memref<!tpu.dma_semaphore, #tpu.memory_space<semaphore_mem>>)
    %scan3A_38 = arith.constant 0 : i32
    %scan3A_39 = arith.constant 20 : i32
    %scan3A_40 = arith.addi %scan3A_38, %scan3A_39 : i32
    %scan3A_41 = arith.constant 1 : i32
    scf.for %scan3A_51 = %scan3A_38 to %scan3A_40 step %scan3A_41  : i32 {
      %mul3A_52 = arith.constant 2 : i32
      %mul3A_53 = arith.muli %scan3A_51, %mul3A_52 : i32
      %add3A_54 = arith.constant 0 : i32
      %add3A_55 = arith.addi %add3A_54, %mul3A_53 : i32
      %add3A_56 = arith.constant 1 : i32
      %add3A_57 = arith.addi %add3A_55, %add3A_56 : i32
      %dma_start3A_58 = arith.constant 0 : i32
      %dma_start3A_59 = tpu.memref_slice %arg7[%add3A_57, %dma_start3A_58] : memref<40x128xi32, #tpu.memory_space<vmem>> -> memref<1x128xi32, #tpu.memory_space<vmem>>
      %dma_start3A_60 = tpu.memref_squeeze %dma_start3A_59 : memref<1x128xi32, #tpu.memory_space<vmem>> -> memref<128xi32, #tpu.memory_space<vmem>>
      %dma_start3A_61 = arith.constant 0 : i32
      %dma_start3A_62 = arith.constant 0 : i32
      %dma_start3A_63 = tpu.memref_slice %arg2[%dma_start3A_61, %dma_start3A_62] : memref<10240x128xf32, #tpu.memory_space<hbm>> -> memref<10240x128xf32, #tpu.memory_space<hbm>>
      tpu.enqueue_indirect_dma source(%dma_start3A_63 : memref<10240x128xf32, #tpu.memory_space<hbm>>) target(%arg10 : memref<128x128xf32, #tpu.memory_space<vmem>>) offsets(%dma_start3A_60 : memref<128xi32, #tpu.memory_space<vmem>>) semaphore(%arg13 : memref<!tpu.dma_semaphore, #tpu.memory_space<semaphore_mem>>)
      %dma_wait3A = arith.constant 0 : i32
      %dma_wait3A_64 = tpu.memref_slice %arg7[%add3A_55, %dma_wait3A] : memref<40x128xi32, #tpu.memory_space<vmem>> -> memref<1x128xi32, #tpu.memory_space<vmem>>
      %dma_wait3A_65 = tpu.memref_squeeze %dma_wait3A_64 : memref<1x128xi32, #tpu.memory_space<vmem>> -> memref<128xi32, #tpu.memory_space<vmem>>
      %dma_wait3A_66 = arith.constant 0 : i32
      %dma_wait3A_67 = arith.constant 0 : i32
      %dma_wait3A_68 = tpu.memref_slice %arg2[%dma_wait3A_66, %dma_wait3A_67] : memref<10240x128xf32, #tpu.memory_space<hbm>> -> memref<10240x128xf32, #tpu.memory_space<hbm>>
      tpu.wait_indirect_dma semaphore(%arg12 : memref<!tpu.dma_semaphore, #tpu.memory_space<semaphore_mem>>) src(%dma_wait3A_68 : memref<10240x128xf32, #tpu.memory_space<hbm>>) dst(%arg9 : memref<128x128xf32, #tpu.memory_space<vmem>>)
      "tpu.region"() ({
        %run_scoped3A = tpu.sem_alloc : memref<!tpu.dma_semaphore, #tpu.memory_space<semaphore_mem>>
        %dma_start3A_83 = arith.constant 0 : i32
        %dma_start3A_84 = tpu.memref_slice %arg8[%add3A_55, %dma_start3A_83] : memref<40x128xi32, #tpu.memory_space<vmem>> -> memref<1x128xi32, #tpu.memory_space<vmem>>
        %dma_start3A_85 = tpu.memref_squeeze %dma_start3A_84 : memref<1x128xi32, #tpu.memory_space<vmem>> -> memref<128xi32, #tpu.memory_space<vmem>>
        %dma_start3A_86 = arith.constant 0 : i32
        %dma_start3A_87 = arith.constant 0 : i32
        %dma_start3A_88 = tpu.memref_slice %arg11[%dma_start3A_86, %dma_start3A_87] : memref<10112x128xf32, #tpu.memory_space<vmem_shared>> -> memref<10112x128xf32, #tpu.memory_space<vmem_shared>>
        tpu.enqueue_indirect_dma source(%arg9 : memref<128x128xf32, #tpu.memory_space<vmem>>) target(%dma_start3A_88 : memref<10112x128xf32, #tpu.memory_space<vmem_shared>>) offsets(%dma_start3A_85 : memref<128xi32, #tpu.memory_space<vmem>>) semaphore(%run_scoped3A : memref<!tpu.dma_semaphore, #tpu.memory_space<semaphore_mem>>) {add = true}
        %dma_wait3A_89 = arith.constant 0 : i32
        %dma_wait3A_90 = tpu.memref_slice %arg8[%add3A_55, %dma_wait3A_89] : memref<40x128xi32, #tpu.memory_space<vmem>> -> memref<1x128xi32, #tpu.memory_space<vmem>>
        %dma_wait3A_91 = tpu.memref_squeeze %dma_wait3A_90 : memref<1x128xi32, #tpu.memory_space<vmem>> -> memref<128xi32, #tpu.memory_space<vmem>>
        %dma_wait3A_92 = arith.constant 0 : i32
        %dma_wait3A_93 = arith.constant 0 : i32
        %dma_wait3A_94 = tpu.memref_slice %arg11[%dma_wait3A_92, %dma_wait3A_93] : memref<10112x128xf32, #tpu.memory_space<vmem_shared>> -> memref<10112x128xf32, #tpu.memory_space<vmem_shared>>
        tpu.wait_indirect_dma semaphore(%run_scoped3A : memref<!tpu.dma_semaphore, #tpu.memory_space<semaphore_mem>>) src(%arg9 : memref<128x128xf32, #tpu.memory_space<vmem>>) dst(%dma_wait3A_94 : memref<10112x128xf32, #tpu.memory_space<vmem_shared>>)
        tpu.yield
      }) : () -> ()
      %add3A_69 = arith.constant 2 : i32
      %add3A_70 = arith.addi %add3A_55, %add3A_69 : i32
      %lt3A = arith.constant 40 : i32
      %lt3A_71 = arith.cmpi slt, %add3A_70, %lt3A : i32
      %convert_element_type3A = arith.extui %lt3A_71 : i1 to i32
      %cond3A = arith.constant 0 : i32
      %cond3A_72 = arith.cmpi ne, %convert_element_type3A, %cond3A : i32
      scf.if %cond3A_72 {
        %add3A_83 = arith.constant 2 : i32
        %add3A_84 = arith.addi %add3A_55, %add3A_83 : i32
        %dma_start3A_85 = arith.constant 0 : i32
        %dma_start3A_86 = tpu.memref_slice %arg7[%add3A_84, %dma_start3A_85] : memref<40x128xi32, #tpu.memory_space<vmem>> -> memref<1x128xi32, #tpu.memory_space<vmem>>
        %dma_start3A_87 = tpu.memref_squeeze %dma_start3A_86 : memref<1x128xi32, #tpu.memory_space<vmem>> -> memref<128xi32, #tpu.memory_space<vmem>>
        %dma_start3A_88 = arith.constant 0 : i32
        %dma_start3A_89 = arith.constant 0 : i32
        %dma_start3A_90 = tpu.memref_slice %arg2[%dma_start3A_88, %dma_start3A_89] : memref<10240x128xf32, #tpu.memory_space<hbm>> -> memref<10240x128xf32, #tpu.memory_space<hbm>>
        tpu.enqueue_indirect_dma source(%dma_start3A_90 : memref<10240x128xf32, #tpu.memory_space<hbm>>) target(%arg9 : memref<128x128xf32, #tpu.memory_space<vmem>>) offsets(%dma_start3A_87 : memref<128xi32, #tpu.memory_space<vmem>>) semaphore(%arg12 : memref<!tpu.dma_semaphore, #tpu.memory_space<semaphore_mem>>)
      } else {
      }
      %add3A_73 = arith.constant 1 : i32
      %add3A_74 = arith.addi %add3A_55, %add3A_73 : i32
      %dma_wait3A_75 = arith.constant 0 : i32
      %dma_wait3A_76 = tpu.memref_slice %arg7[%add3A_74, %dma_wait3A_75] : memref<40x128xi32, #tpu.memory_space<vmem>> -> memref<1x128xi32, #tpu.memory_space<vmem>>
      %dma_wait3A_77 = tpu.memref_squeeze %dma_wait3A_76 : memref<1x128xi32, #tpu.memory_space<vmem>> -> memref<128xi32, #tpu.memory_space<vmem>>
      %dma_wait3A_78 = arith.constant 0 : i32
      %dma_wait3A_79 = arith.constant 0 : i32
      %dma_wait3A_80 = tpu.memref_slice %arg2[%dma_wait3A_78, %dma_wait3A_79] : memref<10240x128xf32, #tpu.memory_space<hbm>> -> memref<10240x128xf32, #tpu.memory_space<hbm>>
      tpu.wait_indirect_dma semaphore(%arg13 : memref<!tpu.dma_semaphore, #tpu.memory_space<semaphore_mem>>) src(%dma_wait3A_80 : memref<10240x128xf32, #tpu.memory_space<hbm>>) dst(%arg10 : memref<128x128xf32, #tpu.memory_space<vmem>>)
      %add3A_81 = arith.constant 1 : i32
      %add3A_82 = arith.addi %add3A_55, %add3A_81 : i32
      "tpu.region"() ({
        %run_scoped3A = tpu.sem_alloc : memref<!tpu.dma_semaphore, #tpu.memory_space<semaphore_mem>>
        %dma_start3A_83 = arith.constant 0 : i32
        %dma_start3A_84 = tpu.memref_slice %arg8[%add3A_82, %dma_start3A_83] : memref<40x128xi32, #tpu.memory_space<vmem>> -> memref<1x128xi32, #tpu.memory_space<vmem>>
        %dma_start3A_85 = tpu.memref_squeeze %dma_start3A_84 : memref<1x128xi32, #tpu.memory_space<vmem>> -> memref<128xi32, #tpu.memory_space<vmem>>
        %dma_start3A_86 = arith.constant 0 : i32
        %dma_start3A_87 = arith.constant 0 : i32
        %dma_start3A_88 = tpu.memref_slice %arg11[%dma_start3A_86, %dma_start3A_87] : memref<10112x128xf32, #tpu.memory_space<vmem_shared>> -> memref<10112x128xf32, #tpu.memory_space<vmem_shared>>
        tpu.enqueue_indirect_dma source(%arg10 : memref<128x128xf32, #tpu.memory_space<vmem>>) target(%dma_start3A_88 : memref<10112x128xf32, #tpu.memory_space<vmem_shared>>) offsets(%dma_start3A_85 : memref<128xi32, #tpu.memory_space<vmem>>) semaphore(%run_scoped3A : memref<!tpu.dma_semaphore, #tpu.memory_space<semaphore_mem>>) {add = true}
        %dma_wait3A_89 = arith.constant 0 : i32
        %dma_wait3A_90 = tpu.memref_slice %arg8[%add3A_82, %dma_wait3A_89] : memref<40x128xi32, #tpu.memory_space<vmem>> -> memref<1x128xi32, #tpu.memory_space<vmem>>
        %dma_wait3A_91 = tpu.memref_squeeze %dma_wait3A_90 : memref<1x128xi32, #tpu.memory_space<vmem>> -> memref<128xi32, #tpu.memory_space<vmem>>
        %dma_wait3A_92 = arith.constant 0 : i32
        %dma_wait3A_93 = arith.constant 0 : i32
        %dma_wait3A_94 = tpu.memref_slice %arg11[%dma_wait3A_92, %dma_wait3A_93] : memref<10112x128xf32, #tpu.memory_space<vmem_shared>> -> memref<10112x128xf32, #tpu.memory_space<vmem_shared>>
        tpu.wait_indirect_dma semaphore(%run_scoped3A : memref<!tpu.dma_semaphore, #tpu.memory_space<semaphore_mem>>) src(%arg10 : memref<128x128xf32, #tpu.memory_space<vmem>>) dst(%dma_wait3A_94 : memref<10112x128xf32, #tpu.memory_space<vmem_shared>>)
        tpu.yield
      }) : () -> ()
    }
    %scan3A_42 = arith.constant 20 : i32
    %barrier3A_43 = arith.constant 0 : index
    tpu.barrier barrier_id(%barrier3A_43)
    %mul3A_44 = arith.constant 632 : i32
    %mul3A_45 = arith.muli %arg1, %mul3A_44 : i32
    %mul3A_46 = arith.constant 10112 : i32
    %mul3A_47 = arith.muli %arg0, %mul3A_46 : i32
    %mul3A_48 = arith.constant 632 : i32
    %mul3A_49 = arith.muli %arg1, %mul3A_48 : i32
    %add3A_50 = arith.addi %mul3A_47, %mul3A_49 : i32
    "tpu.region"() ({
      %run_scoped3A = tpu.sem_alloc : memref<!tpu.dma_semaphore, #tpu.memory_space<semaphore_mem>>
      %dma_start3A_51 = arith.constant 0 : i32
      %dma_start3A_52 = tpu.memref_slice %arg6[%add3A_50, %dma_start3A_51] : memref<20224x128xf32, #tpu.memory_space<hbm>> -> memref<632x128xf32, #tpu.memory_space<hbm>>
      %dma_start3A_53 = arith.constant 0 : i32
      %dma_start3A_54 = tpu.memref_slice %arg11[%mul3A_45, %dma_start3A_53] : memref<10112x128xf32, #tpu.memory_space<vmem_shared>> -> memref<632x128xf32, #tpu.memory_space<vmem_shared>>
      tpu.enqueue_dma source(%dma_start3A_54 : memref<632x128xf32, #tpu.memory_space<vmem_shared>>) target(%dma_start3A_52 : memref<632x128xf32, #tpu.memory_space<hbm>>) target_semaphore(%run_scoped3A : memref<!tpu.dma_semaphore, #tpu.memory_space<semaphore_mem>>)
      %dma_wait3A = arith.constant 0 : i32
      %dma_wait3A_55 = tpu.memref_slice %arg6[%add3A_50, %dma_wait3A] : memref<20224x128xf32, #tpu.memory_space<hbm>> -> memref<632x128xf32, #tpu.memory_space<hbm>>
      %dma_wait3A_56 = arith.constant 0 : i32
      %dma_wait3A_57 = tpu.memref_slice %arg11[%mul3A_45, %dma_wait3A_56] : memref<10112x128xf32, #tpu.memory_space<vmem_shared>> -> memref<632x128xf32, #tpu.memory_space<vmem_shared>>
      tpu.wait_dma2 semaphore(%run_scoped3A : memref<!tpu.dma_semaphore, #tpu.memory_space<semaphore_mem>>) src(%dma_wait3A_57 : memref<632x128xf32, #tpu.memory_space<vmem_shared>>) dst(%dma_wait3A_55 : memref<632x128xf32, #tpu.memory_space<hbm>>)
      tpu.yield
    }) : () -> ()
    return
  }
}

#map = affine_map<(d0, d1) -> (0, 0)>
module attributes {stable_mosaic.version = 14 : i64} {
  func.func @body(%arg0: i32, %arg1: i32, %arg2: memref<10240x64xf32, #tpu.memory_space<hbm>>, %arg3: memref<2560x128xi32, #tpu.memory_space<hbm>>, %arg4: memref<2560x128xi32, #tpu.memory_space<hbm>>, %arg5: memref<10112x64xf32, #tpu.memory_space<hbm>>, %arg6: memref<20224x64xf32, #tpu.memory_space<hbm>>, %arg7: memref<80x128xi32, #tpu.memory_space<vmem>>, %arg8: memref<80x128xi32, #tpu.memory_space<vmem>>, %arg9: memref<128x64xf32, #tpu.memory_space<vmem>>, %arg10: memref<128x64xf32, #tpu.memory_space<vmem>>, %arg11: memref<128x64xf32, #tpu.memory_space<vmem>>, %arg12: memref<128x64xf32, #tpu.memory_space<vmem>>, %arg13: memref<10112x64xf32, #tpu.memory_space<vmem_shared>>, %arg14: memref<!tpu.dma_semaphore, #tpu.memory_space<semaphore_mem>>, %arg15: memref<!tpu.dma_semaphore, #tpu.memory_space<semaphore_mem>>, %arg16: memref<!tpu.dma_semaphore, #tpu.memory_space<semaphore_mem>>, %arg17: memref<!tpu.dma_semaphore, #tpu.memory_space<semaphore_mem>>, %arg18: memref<!tpu.dma_semaphore, #tpu.memory_space<semaphore_mem>>, %arg19: memref<!tpu.dma_semaphore, #tpu.memory_space<semaphore_mem>>, %arg20: memref<!tpu.dma_semaphore, #tpu.memory_space<semaphore_mem>>, %arg21: memref<!tpu.dma_semaphore, #tpu.memory_space<semaphore_mem>>) attributes {dimension_semantics = [#tpu.dimension_semantics<core_parallel>, #tpu.dimension_semantics<subcore_parallel>], iteration_bounds = array<i64: 2, 16>, scalar_prefetch = 0 : i64, scratch_operands = 15 : i64, tpu.core_type = #tpu.core_type<sc_vector_subcore>, window_params = [{transform_indices = #map}, {transform_indices = #map}, {transform_indices = #map}, {transform_indices = #map}, {transform_indices = #map}]} {
    %mul3A = arith.constant 16 : i32
    %mul3A_0 = arith.muli %arg0, %mul3A : i32
    %add3A = arith.addi %mul3A_0, %arg1 : i32
    %mul3A_1 = arith.constant 632 : i32
    %mul3A_2 = arith.muli %arg1, %mul3A_1 : i32
    %mul3A_3 = arith.constant 632 : i32
    %mul3A_4 = arith.muli %arg1, %mul3A_3 : i32
    "tpu.region"() ({
      %run_scoped3A = tpu.sem_alloc : memref<!tpu.dma_semaphore, #tpu.memory_space<semaphore_mem>>
      %dma_start3A_72 = arith.constant 0 : i32
      %dma_start3A_73 = tpu.memref_slice %arg13[%mul3A_4, %dma_start3A_72] : memref<10112x64xf32, #tpu.memory_space<vmem_shared>> -> memref<632x64xf32, #tpu.memory_space<vmem_shared>>
      %dma_start3A_74 = arith.constant 0 : i32
      %dma_start3A_75 = tpu.memref_slice %arg5[%mul3A_2, %dma_start3A_74] : memref<10112x64xf32, #tpu.memory_space<hbm>> -> memref<632x64xf32, #tpu.memory_space<hbm>>
      tpu.enqueue_dma source(%dma_start3A_75 : memref<632x64xf32, #tpu.memory_space<hbm>>) target(%dma_start3A_73 : memref<632x64xf32, #tpu.memory_space<vmem_shared>>) target_semaphore(%run_scoped3A : memref<!tpu.dma_semaphore, #tpu.memory_space<semaphore_mem>>)
      %dma_wait3A_76 = arith.constant 0 : i32
      %dma_wait3A_77 = tpu.memref_slice %arg13[%mul3A_4, %dma_wait3A_76] : memref<10112x64xf32, #tpu.memory_space<vmem_shared>> -> memref<632x64xf32, #tpu.memory_space<vmem_shared>>
      %dma_wait3A_78 = arith.constant 0 : i32
      %dma_wait3A_79 = tpu.memref_slice %arg5[%mul3A_2, %dma_wait3A_78] : memref<10112x64xf32, #tpu.memory_space<hbm>> -> memref<632x64xf32, #tpu.memory_space<hbm>>
      tpu.wait_dma2 semaphore(%run_scoped3A : memref<!tpu.dma_semaphore, #tpu.memory_space<semaphore_mem>>) src(%dma_wait3A_79 : memref<632x64xf32, #tpu.memory_space<hbm>>) dst(%dma_wait3A_77 : memref<632x64xf32, #tpu.memory_space<vmem_shared>>)
      tpu.yield
    }) : () -> ()
    %barrier3A = arith.constant 0 : index
    tpu.barrier barrier_id(%barrier3A)
    %mul3A_5 = arith.constant 80 : i32
    %mul3A_6 = arith.muli %add3A, %mul3A_5 : i32
    %add3A_7 = arith.constant 0 : i32
    %add3A_8 = arith.addi %mul3A_6, %add3A_7 : i32
    "tpu.region"() ({
      %run_scoped3A = tpu.sem_alloc : memref<!tpu.dma_semaphore, #tpu.memory_space<semaphore_mem>>
      %dma_start3A_72 = arith.constant 0 : i32
      %dma_start3A_73 = tpu.memref_slice %arg3[%add3A_8, %dma_start3A_72] : memref<2560x128xi32, #tpu.memory_space<hbm>> -> memref<80x128xi32, #tpu.memory_space<hbm>>
      %dma_start3A_74 = arith.constant 0 : i32
      %dma_start3A_75 = tpu.memref_slice %arg3[%add3A_8, %dma_start3A_74] : memref<2560x128xi32, #tpu.memory_space<hbm>> -> memref<80x128xi32, #tpu.memory_space<hbm>>
      tpu.enqueue_dma source(%dma_start3A_75 : memref<80x128xi32, #tpu.memory_space<hbm>>) target(%arg7 : memref<80x128xi32, #tpu.memory_space<vmem>>) target_semaphore(%run_scoped3A : memref<!tpu.dma_semaphore, #tpu.memory_space<semaphore_mem>>)
      %dma_wait3A_76 = arith.constant 0 : i32
      %dma_wait3A_77 = tpu.memref_slice %arg3[%add3A_8, %dma_wait3A_76] : memref<2560x128xi32, #tpu.memory_space<hbm>> -> memref<80x128xi32, #tpu.memory_space<hbm>>
      %dma_wait3A_78 = arith.constant 0 : i32
      %dma_wait3A_79 = tpu.memref_slice %arg3[%add3A_8, %dma_wait3A_78] : memref<2560x128xi32, #tpu.memory_space<hbm>> -> memref<80x128xi32, #tpu.memory_space<hbm>>
      tpu.wait_dma2 semaphore(%run_scoped3A : memref<!tpu.dma_semaphore, #tpu.memory_space<semaphore_mem>>) src(%dma_wait3A_79 : memref<80x128xi32, #tpu.memory_space<hbm>>) dst(%arg7 : memref<80x128xi32, #tpu.memory_space<vmem>>)
      tpu.yield
    }) : () -> ()
    %mul3A_9 = arith.constant 80 : i32
    %mul3A_10 = arith.muli %add3A, %mul3A_9 : i32
    %add3A_11 = arith.constant 0 : i32
    %add3A_12 = arith.addi %mul3A_10, %add3A_11 : i32
    "tpu.region"() ({
      %run_scoped3A = tpu.sem_alloc : memref<!tpu.dma_semaphore, #tpu.memory_space<semaphore_mem>>
      %dma_start3A_72 = arith.constant 0 : i32
      %dma_start3A_73 = tpu.memref_slice %arg4[%add3A_12, %dma_start3A_72] : memref<2560x128xi32, #tpu.memory_space<hbm>> -> memref<80x128xi32, #tpu.memory_space<hbm>>
      %dma_start3A_74 = arith.constant 0 : i32
      %dma_start3A_75 = tpu.memref_slice %arg4[%add3A_12, %dma_start3A_74] : memref<2560x128xi32, #tpu.memory_space<hbm>> -> memref<80x128xi32, #tpu.memory_space<hbm>>
      tpu.enqueue_dma source(%dma_start3A_75 : memref<80x128xi32, #tpu.memory_space<hbm>>) target(%arg8 : memref<80x128xi32, #tpu.memory_space<vmem>>) target_semaphore(%run_scoped3A : memref<!tpu.dma_semaphore, #tpu.memory_space<semaphore_mem>>)
      %dma_wait3A_76 = arith.constant 0 : i32
      %dma_wait3A_77 = tpu.memref_slice %arg4[%add3A_12, %dma_wait3A_76] : memref<2560x128xi32, #tpu.memory_space<hbm>> -> memref<80x128xi32, #tpu.memory_space<hbm>>
      %dma_wait3A_78 = arith.constant 0 : i32
      %dma_wait3A_79 = tpu.memref_slice %arg4[%add3A_12, %dma_wait3A_78] : memref<2560x128xi32, #tpu.memory_space<hbm>> -> memref<80x128xi32, #tpu.memory_space<hbm>>
      tpu.wait_dma2 semaphore(%run_scoped3A : memref<!tpu.dma_semaphore, #tpu.memory_space<semaphore_mem>>) src(%dma_wait3A_79 : memref<80x128xi32, #tpu.memory_space<hbm>>) dst(%arg8 : memref<80x128xi32, #tpu.memory_space<vmem>>)
      tpu.yield
    }) : () -> ()
    %dma_start3A = arith.constant 0 : i32
    %dma_start3A_13 = arith.constant 0 : i32
    %dma_start3A_14 = tpu.memref_slice %arg7[%dma_start3A, %dma_start3A_13] : memref<80x128xi32, #tpu.memory_space<vmem>> -> memref<1x128xi32, #tpu.memory_space<vmem>>
    %dma_start3A_15 = tpu.memref_squeeze %dma_start3A_14 : memref<1x128xi32, #tpu.memory_space<vmem>> -> memref<128xi32, #tpu.memory_space<vmem>>
    %dma_start3A_16 = arith.constant 0 : i32
    %dma_start3A_17 = arith.constant 0 : i32
    %dma_start3A_18 = tpu.memref_slice %arg2[%dma_start3A_16, %dma_start3A_17] : memref<10240x64xf32, #tpu.memory_space<hbm>> -> memref<10240x64xf32, #tpu.memory_space<hbm>>
    tpu.enqueue_indirect_dma source(%dma_start3A_18 : memref<10240x64xf32, #tpu.memory_space<hbm>>) target(%arg9 : memref<128x64xf32, #tpu.memory_space<vmem>>) offsets(%dma_start3A_15 : memref<128xi32, #tpu.memory_space<vmem>>) semaphore(%arg14 : memref<!tpu.dma_semaphore, #tpu.memory_space<semaphore_mem>>)
    %dma_start3A_19 = arith.constant 1 : i32
    %dma_start3A_20 = arith.constant 0 : i32
    %dma_start3A_21 = tpu.memref_slice %arg7[%dma_start3A_19, %dma_start3A_20] : memref<80x128xi32, #tpu.memory_space<vmem>> -> memref<1x128xi32, #tpu.memory_space<vmem>>
    %dma_start3A_22 = tpu.memref_squeeze %dma_start3A_21 : memref<1x128xi32, #tpu.memory_space<vmem>> -> memref<128xi32, #tpu.memory_space<vmem>>
    %dma_start3A_23 = arith.constant 0 : i32
    %dma_start3A_24 = arith.constant 0 : i32
    %dma_start3A_25 = tpu.memref_slice %arg2[%dma_start3A_23, %dma_start3A_24] : memref<10240x64xf32, #tpu.memory_space<hbm>> -> memref<10240x64xf32, #tpu.memory_space<hbm>>
    tpu.enqueue_indirect_dma source(%dma_start3A_25 : memref<10240x64xf32, #tpu.memory_space<hbm>>) target(%arg10 : memref<128x64xf32, #tpu.memory_space<vmem>>) offsets(%dma_start3A_22 : memref<128xi32, #tpu.memory_space<vmem>>) semaphore(%arg15 : memref<!tpu.dma_semaphore, #tpu.memory_space<semaphore_mem>>)
    %dma_start3A_26 = arith.constant 2 : i32
    %dma_start3A_27 = arith.constant 0 : i32
    %dma_start3A_28 = tpu.memref_slice %arg7[%dma_start3A_26, %dma_start3A_27] : memref<80x128xi32, #tpu.memory_space<vmem>> -> memref<1x128xi32, #tpu.memory_space<vmem>>
    %dma_start3A_29 = tpu.memref_squeeze %dma_start3A_28 : memref<1x128xi32, #tpu.memory_space<vmem>> -> memref<128xi32, #tpu.memory_space<vmem>>
    %dma_start3A_30 = arith.constant 0 : i32
    %dma_start3A_31 = arith.constant 0 : i32
    %dma_start3A_32 = tpu.memref_slice %arg2[%dma_start3A_30, %dma_start3A_31] : memref<10240x64xf32, #tpu.memory_space<hbm>> -> memref<10240x64xf32, #tpu.memory_space<hbm>>
    tpu.enqueue_indirect_dma source(%dma_start3A_32 : memref<10240x64xf32, #tpu.memory_space<hbm>>) target(%arg11 : memref<128x64xf32, #tpu.memory_space<vmem>>) offsets(%dma_start3A_29 : memref<128xi32, #tpu.memory_space<vmem>>) semaphore(%arg16 : memref<!tpu.dma_semaphore, #tpu.memory_space<semaphore_mem>>)
    %scan3A = arith.constant 0 : i32
    %scan3A_33 = arith.constant 20 : i32
    %scan3A_34 = arith.addi %scan3A, %scan3A_33 : i32
    %scan3A_35 = arith.constant 1 : i32
    scf.for %scan3A_72 = %scan3A to %scan3A_34 step %scan3A_35  : i32 {
      %mul3A_73 = arith.constant 4 : i32
      %mul3A_74 = arith.muli %scan3A_72, %mul3A_73 : i32
      %add3A_75 = arith.constant 0 : i32
      %add3A_76 = arith.addi %add3A_75, %mul3A_74 : i32
      %add3A_77 = arith.constant 0 : i32
      %add3A_78 = arith.addi %add3A_76, %add3A_77 : i32
      %dma_wait3A_79 = arith.constant 0 : i32
      %dma_wait3A_80 = tpu.memref_slice %arg7[%add3A_78, %dma_wait3A_79] : memref<80x128xi32, #tpu.memory_space<vmem>> -> memref<1x128xi32, #tpu.memory_space<vmem>>
      %dma_wait3A_81 = tpu.memref_squeeze %dma_wait3A_80 : memref<1x128xi32, #tpu.memory_space<vmem>> -> memref<128xi32, #tpu.memory_space<vmem>>
      %dma_wait3A_82 = arith.constant 0 : i32
      %dma_wait3A_83 = arith.constant 0 : i32
      %dma_wait3A_84 = tpu.memref_slice %arg2[%dma_wait3A_82, %dma_wait3A_83] : memref<10240x64xf32, #tpu.memory_space<hbm>> -> memref<10240x64xf32, #tpu.memory_space<hbm>>
      tpu.wait_indirect_dma semaphore(%arg14 : memref<!tpu.dma_semaphore, #tpu.memory_space<semaphore_mem>>) src(%dma_wait3A_84 : memref<10240x64xf32, #tpu.memory_space<hbm>>) dst(%arg9 : memref<128x64xf32, #tpu.memory_space<vmem>>)
      %dma_start3A_85 = arith.constant 0 : i32
      %dma_start3A_86 = tpu.memref_slice %arg8[%add3A_78, %dma_start3A_85] : memref<80x128xi32, #tpu.memory_space<vmem>> -> memref<1x128xi32, #tpu.memory_space<vmem>>
      %dma_start3A_87 = tpu.memref_squeeze %dma_start3A_86 : memref<1x128xi32, #tpu.memory_space<vmem>> -> memref<128xi32, #tpu.memory_space<vmem>>
      %dma_start3A_88 = arith.constant 0 : i32
      %dma_start3A_89 = arith.constant 0 : i32
      %dma_start3A_90 = tpu.memref_slice %arg13[%dma_start3A_88, %dma_start3A_89] : memref<10112x64xf32, #tpu.memory_space<vmem_shared>> -> memref<10112x64xf32, #tpu.memory_space<vmem_shared>>
      tpu.enqueue_indirect_dma source(%arg9 : memref<128x64xf32, #tpu.memory_space<vmem>>) target(%dma_start3A_90 : memref<10112x64xf32, #tpu.memory_space<vmem_shared>>) offsets(%dma_start3A_87 : memref<128xi32, #tpu.memory_space<vmem>>) semaphore(%arg18 : memref<!tpu.dma_semaphore, #tpu.memory_space<semaphore_mem>>) {add = true}
      %gt3A = arith.constant 0 : i32
      %gt3A_91 = arith.cmpi sgt, %add3A_76, %gt3A : i32
      %add3A_92 = arith.constant 4 : i32
      %add3A_93 = arith.addi %add3A_78, %add3A_92 : i32
      %sub3A = arith.constant 1 : i32
      %sub3A_94 = arith.subi %add3A_93, %sub3A : i32
      %lt3A = arith.constant 80 : i32
      %lt3A_95 = arith.cmpi slt, %sub3A_94, %lt3A : i32
      %and3A = arith.andi %gt3A_91, %lt3A_95 : i1
      %convert_element_type3A = arith.extui %and3A : i1 to i32
      %cond3A = arith.constant 0 : i32
      %cond3A_96 = arith.cmpi ne, %convert_element_type3A, %cond3A : i32
      scf.if %cond3A_96 {
        %dma_wait3A_177 = arith.constant 0 : i32
        %dma_wait3A_178 = tpu.memref_slice %arg8[%add3A_78, %dma_wait3A_177] : memref<80x128xi32, #tpu.memory_space<vmem>> -> memref<1x128xi32, #tpu.memory_space<vmem>>
        %dma_wait3A_179 = tpu.memref_squeeze %dma_wait3A_178 : memref<1x128xi32, #tpu.memory_space<vmem>> -> memref<128xi32, #tpu.memory_space<vmem>>
        %dma_wait3A_180 = arith.constant 0 : i32
        %dma_wait3A_181 = arith.constant 0 : i32
        %dma_wait3A_182 = tpu.memref_slice %arg13[%dma_wait3A_180, %dma_wait3A_181] : memref<10112x64xf32, #tpu.memory_space<vmem_shared>> -> memref<10112x64xf32, #tpu.memory_space<vmem_shared>>
        tpu.wait_indirect_dma semaphore(%arg21 : memref<!tpu.dma_semaphore, #tpu.memory_space<semaphore_mem>>) src(%arg12 : memref<128x64xf32, #tpu.memory_space<vmem>>) dst(%dma_wait3A_182 : memref<10112x64xf32, #tpu.memory_space<vmem_shared>>)
        %add3A_183 = arith.constant 4 : i32
        %add3A_184 = arith.addi %add3A_78, %add3A_183 : i32
        %sub3A_185 = arith.constant 1 : i32
        %sub3A_186 = arith.subi %add3A_184, %sub3A_185 : i32
        %dma_start3A_187 = arith.constant 0 : i32
        %dma_start3A_188 = tpu.memref_slice %arg7[%sub3A_186, %dma_start3A_187] : memref<80x128xi32, #tpu.memory_space<vmem>> -> memref<1x128xi32, #tpu.memory_space<vmem>>
        %dma_start3A_189 = tpu.memref_squeeze %dma_start3A_188 : memref<1x128xi32, #tpu.memory_space<vmem>> -> memref<128xi32, #tpu.memory_space<vmem>>
        %dma_start3A_190 = arith.constant 0 : i32
        %dma_start3A_191 = arith.constant 0 : i32
        %dma_start3A_192 = tpu.memref_slice %arg2[%dma_start3A_190, %dma_start3A_191] : memref<10240x64xf32, #tpu.memory_space<hbm>> -> memref<10240x64xf32, #tpu.memory_space<hbm>>
        tpu.enqueue_indirect_dma source(%dma_start3A_192 : memref<10240x64xf32, #tpu.memory_space<hbm>>) target(%arg12 : memref<128x64xf32, #tpu.memory_space<vmem>>) offsets(%dma_start3A_189 : memref<128xi32, #tpu.memory_space<vmem>>) semaphore(%arg17 : memref<!tpu.dma_semaphore, #tpu.memory_space<semaphore_mem>>)
      } else {
      }
      %eq3A = arith.constant 0 : i32
      %eq3A_97 = arith.cmpi eq, %add3A_76, %eq3A : i32
      %add3A_98 = arith.constant 4 : i32
      %add3A_99 = arith.addi %add3A_78, %add3A_98 : i32
      %sub3A_100 = arith.constant 1 : i32
      %sub3A_101 = arith.subi %add3A_99, %sub3A_100 : i32
      %lt3A_102 = arith.constant 80 : i32
      %lt3A_103 = arith.cmpi slt, %sub3A_101, %lt3A_102 : i32
      %and3A_104 = arith.andi %eq3A_97, %lt3A_103 : i1
      %convert_element_type3A_105 = arith.extui %and3A_104 : i1 to i32
      %cond3A_106 = arith.constant 0 : i32
      %cond3A_107 = arith.cmpi ne, %convert_element_type3A_105, %cond3A_106 : i32
      scf.if %cond3A_107 {
        %add3A_177 = arith.constant 4 : i32
        %add3A_178 = arith.addi %add3A_78, %add3A_177 : i32
        %sub3A_179 = arith.constant 1 : i32
        %sub3A_180 = arith.subi %add3A_178, %sub3A_179 : i32
        %dma_start3A_181 = arith.constant 0 : i32
        %dma_start3A_182 = tpu.memref_slice %arg7[%sub3A_180, %dma_start3A_181] : memref<80x128xi32, #tpu.memory_space<vmem>> -> memref<1x128xi32, #tpu.memory_space<vmem>>
        %dma_start3A_183 = tpu.memref_squeeze %dma_start3A_182 : memref<1x128xi32, #tpu.memory_space<vmem>> -> memref<128xi32, #tpu.memory_space<vmem>>
        %dma_start3A_184 = arith.constant 0 : i32
        %dma_start3A_185 = arith.constant 0 : i32
        %dma_start3A_186 = tpu.memref_slice %arg2[%dma_start3A_184, %dma_start3A_185] : memref<10240x64xf32, #tpu.memory_space<hbm>> -> memref<10240x64xf32, #tpu.memory_space<hbm>>
        tpu.enqueue_indirect_dma source(%dma_start3A_186 : memref<10240x64xf32, #tpu.memory_space<hbm>>) target(%arg12 : memref<128x64xf32, #tpu.memory_space<vmem>>) offsets(%dma_start3A_183 : memref<128xi32, #tpu.memory_space<vmem>>) semaphore(%arg17 : memref<!tpu.dma_semaphore, #tpu.memory_space<semaphore_mem>>)
      } else {
      }
      %add3A_108 = arith.constant 1 : i32
      %add3A_109 = arith.addi %add3A_76, %add3A_108 : i32
      %dma_wait3A_110 = arith.constant 0 : i32
      %dma_wait3A_111 = tpu.memref_slice %arg7[%add3A_109, %dma_wait3A_110] : memref<80x128xi32, #tpu.memory_space<vmem>> -> memref<1x128xi32, #tpu.memory_space<vmem>>
      %dma_wait3A_112 = tpu.memref_squeeze %dma_wait3A_111 : memref<1x128xi32, #tpu.memory_space<vmem>> -> memref<128xi32, #tpu.memory_space<vmem>>
      %dma_wait3A_113 = arith.constant 0 : i32
      %dma_wait3A_114 = arith.constant 0 : i32
      %dma_wait3A_115 = tpu.memref_slice %arg2[%dma_wait3A_113, %dma_wait3A_114] : memref<10240x64xf32, #tpu.memory_space<hbm>> -> memref<10240x64xf32, #tpu.memory_space<hbm>>
      tpu.wait_indirect_dma semaphore(%arg15 : memref<!tpu.dma_semaphore, #tpu.memory_space<semaphore_mem>>) src(%dma_wait3A_115 : memref<10240x64xf32, #tpu.memory_space<hbm>>) dst(%arg10 : memref<128x64xf32, #tpu.memory_space<vmem>>)
      %dma_start3A_116 = arith.constant 0 : i32
      %dma_start3A_117 = tpu.memref_slice %arg8[%add3A_109, %dma_start3A_116] : memref<80x128xi32, #tpu.memory_space<vmem>> -> memref<1x128xi32, #tpu.memory_space<vmem>>
      %dma_start3A_118 = tpu.memref_squeeze %dma_start3A_117 : memref<1x128xi32, #tpu.memory_space<vmem>> -> memref<128xi32, #tpu.memory_space<vmem>>
      %dma_start3A_119 = arith.constant 0 : i32
      %dma_start3A_120 = arith.constant 0 : i32
      %dma_start3A_121 = tpu.memref_slice %arg13[%dma_start3A_119, %dma_start3A_120] : memref<10112x64xf32, #tpu.memory_space<vmem_shared>> -> memref<10112x64xf32, #tpu.memory_space<vmem_shared>>
      tpu.enqueue_indirect_dma source(%arg10 : memref<128x64xf32, #tpu.memory_space<vmem>>) target(%dma_start3A_121 : memref<10112x64xf32, #tpu.memory_space<vmem_shared>>) offsets(%dma_start3A_118 : memref<128xi32, #tpu.memory_space<vmem>>) semaphore(%arg19 : memref<!tpu.dma_semaphore, #tpu.memory_space<semaphore_mem>>) {add = true}
      %add3A_122 = arith.constant 4 : i32
      %add3A_123 = arith.addi %add3A_109, %add3A_122 : i32
      %sub3A_124 = arith.constant 1 : i32
      %sub3A_125 = arith.subi %add3A_123, %sub3A_124 : i32
      %lt3A_126 = arith.constant 80 : i32
      %lt3A_127 = arith.cmpi slt, %sub3A_125, %lt3A_126 : i32
      %convert_element_type3A_128 = arith.extui %lt3A_127 : i1 to i32
      %cond3A_129 = arith.constant 0 : i32
      %cond3A_130 = arith.cmpi ne, %convert_element_type3A_128, %cond3A_129 : i32
      scf.if %cond3A_130 {
        %dma_wait3A_177 = arith.constant 0 : i32
        %dma_wait3A_178 = tpu.memref_slice %arg8[%add3A_109, %dma_wait3A_177] : memref<80x128xi32, #tpu.memory_space<vmem>> -> memref<1x128xi32, #tpu.memory_space<vmem>>
        %dma_wait3A_179 = tpu.memref_squeeze %dma_wait3A_178 : memref<1x128xi32, #tpu.memory_space<vmem>> -> memref<128xi32, #tpu.memory_space<vmem>>
        %dma_wait3A_180 = arith.constant 0 : i32
        %dma_wait3A_181 = arith.constant 0 : i32
        %dma_wait3A_182 = tpu.memref_slice %arg13[%dma_wait3A_180, %dma_wait3A_181] : memref<10112x64xf32, #tpu.memory_space<vmem_shared>> -> memref<10112x64xf32, #tpu.memory_space<vmem_shared>>
        tpu.wait_indirect_dma semaphore(%arg18 : memref<!tpu.dma_semaphore, #tpu.memory_space<semaphore_mem>>) src(%arg9 : memref<128x64xf32, #tpu.memory_space<vmem>>) dst(%dma_wait3A_182 : memref<10112x64xf32, #tpu.memory_space<vmem_shared>>)
        %add3A_183 = arith.constant 4 : i32
        %add3A_184 = arith.addi %add3A_109, %add3A_183 : i32
        %sub3A_185 = arith.constant 1 : i32
        %sub3A_186 = arith.subi %add3A_184, %sub3A_185 : i32
        %dma_start3A_187 = arith.constant 0 : i32
        %dma_start3A_188 = tpu.memref_slice %arg7[%sub3A_186, %dma_start3A_187] : memref<80x128xi32, #tpu.memory_space<vmem>> -> memref<1x128xi32, #tpu.memory_space<vmem>>
        %dma_start3A_189 = tpu.memref_squeeze %dma_start3A_188 : memref<1x128xi32, #tpu.memory_space<vmem>> -> memref<128xi32, #tpu.memory_space<vmem>>
        %dma_start3A_190 = arith.constant 0 : i32
        %dma_start3A_191 = arith.constant 0 : i32
        %dma_start3A_192 = tpu.memref_slice %arg2[%dma_start3A_190, %dma_start3A_191] : memref<10240x64xf32, #tpu.memory_space<hbm>> -> memref<10240x64xf32, #tpu.memory_space<hbm>>
        tpu.enqueue_indirect_dma source(%dma_start3A_192 : memref<10240x64xf32, #tpu.memory_space<hbm>>) target(%arg9 : memref<128x64xf32, #tpu.memory_space<vmem>>) offsets(%dma_start3A_189 : memref<128xi32, #tpu.memory_space<vmem>>) semaphore(%arg14 : memref<!tpu.dma_semaphore, #tpu.memory_space<semaphore_mem>>)
      } else {
      }
      %add3A_131 = arith.constant 2 : i32
      %add3A_132 = arith.addi %add3A_76, %add3A_131 : i32
      %dma_wait3A_133 = arith.constant 0 : i32
      %dma_wait3A_134 = tpu.memref_slice %arg7[%add3A_132, %dma_wait3A_133] : memref<80x128xi32, #tpu.memory_space<vmem>> -> memref<1x128xi32, #tpu.memory_space<vmem>>
      %dma_wait3A_135 = tpu.memref_squeeze %dma_wait3A_134 : memref<1x128xi32, #tpu.memory_space<vmem>> -> memref<128xi32, #tpu.memory_space<vmem>>
      %dma_wait3A_136 = arith.constant 0 : i32
      %dma_wait3A_137 = arith.constant 0 : i32
      %dma_wait3A_138 = tpu.memref_slice %arg2[%dma_wait3A_136, %dma_wait3A_137] : memref<10240x64xf32, #tpu.memory_space<hbm>> -> memref<10240x64xf32, #tpu.memory_space<hbm>>
      tpu.wait_indirect_dma semaphore(%arg16 : memref<!tpu.dma_semaphore, #tpu.memory_space<semaphore_mem>>) src(%dma_wait3A_138 : memref<10240x64xf32, #tpu.memory_space<hbm>>) dst(%arg11 : memref<128x64xf32, #tpu.memory_space<vmem>>)
      %dma_start3A_139 = arith.constant 0 : i32
      %dma_start3A_140 = tpu.memref_slice %arg8[%add3A_132, %dma_start3A_139] : memref<80x128xi32, #tpu.memory_space<vmem>> -> memref<1x128xi32, #tpu.memory_space<vmem>>
      %dma_start3A_141 = tpu.memref_squeeze %dma_start3A_140 : memref<1x128xi32, #tpu.memory_space<vmem>> -> memref<128xi32, #tpu.memory_space<vmem>>
      %dma_start3A_142 = arith.constant 0 : i32
      %dma_start3A_143 = arith.constant 0 : i32
      %dma_start3A_144 = tpu.memref_slice %arg13[%dma_start3A_142, %dma_start3A_143] : memref<10112x64xf32, #tpu.memory_space<vmem_shared>> -> memref<10112x64xf32, #tpu.memory_space<vmem_shared>>
      tpu.enqueue_indirect_dma source(%arg11 : memref<128x64xf32, #tpu.memory_space<vmem>>) target(%dma_start3A_144 : memref<10112x64xf32, #tpu.memory_space<vmem_shared>>) offsets(%dma_start3A_141 : memref<128xi32, #tpu.memory_space<vmem>>) semaphore(%arg20 : memref<!tpu.dma_semaphore, #tpu.memory_space<semaphore_mem>>) {add = true}
      %add3A_145 = arith.constant 4 : i32
      %add3A_146 = arith.addi %add3A_132, %add3A_145 : i32
      %sub3A_147 = arith.constant 1 : i32
      %sub3A_148 = arith.subi %add3A_146, %sub3A_147 : i32
      %lt3A_149 = arith.constant 80 : i32
      %lt3A_150 = arith.cmpi slt, %sub3A_148, %lt3A_149 : i32
      %convert_element_type3A_151 = arith.extui %lt3A_150 : i1 to i32
      %cond3A_152 = arith.constant 0 : i32
      %cond3A_153 = arith.cmpi ne, %convert_element_type3A_151, %cond3A_152 : i32
      scf.if %cond3A_153 {
        %dma_wait3A_177 = arith.constant 0 : i32
        %dma_wait3A_178 = tpu.memref_slice %arg8[%add3A_132, %dma_wait3A_177] : memref<80x128xi32, #tpu.memory_space<vmem>> -> memref<1x128xi32, #tpu.memory_space<vmem>>
        %dma_wait3A_179 = tpu.memref_squeeze %dma_wait3A_178 : memref<1x128xi32, #tpu.memory_space<vmem>> -> memref<128xi32, #tpu.memory_space<vmem>>
        %dma_wait3A_180 = arith.constant 0 : i32
        %dma_wait3A_181 = arith.constant 0 : i32
        %dma_wait3A_182 = tpu.memref_slice %arg13[%dma_wait3A_180, %dma_wait3A_181] : memref<10112x64xf32, #tpu.memory_space<vmem_shared>> -> memref<10112x64xf32, #tpu.memory_space<vmem_shared>>
        tpu.wait_indirect_dma semaphore(%arg19 : memref<!tpu.dma_semaphore, #tpu.memory_space<semaphore_mem>>) src(%arg10 : memref<128x64xf32, #tpu.memory_space<vmem>>) dst(%dma_wait3A_182 : memref<10112x64xf32, #tpu.memory_space<vmem_shared>>)
        %add3A_183 = arith.constant 4 : i32
        %add3A_184 = arith.addi %add3A_132, %add3A_183 : i32
        %sub3A_185 = arith.constant 1 : i32
        %sub3A_186 = arith.subi %add3A_184, %sub3A_185 : i32
        %dma_start3A_187 = arith.constant 0 : i32
        %dma_start3A_188 = tpu.memref_slice %arg7[%sub3A_186, %dma_start3A_187] : memref<80x128xi32, #tpu.memory_space<vmem>> -> memref<1x128xi32, #tpu.memory_space<vmem>>
        %dma_start3A_189 = tpu.memref_squeeze %dma_start3A_188 : memref<1x128xi32, #tpu.memory_space<vmem>> -> memref<128xi32, #tpu.memory_space<vmem>>
        %dma_start3A_190 = arith.constant 0 : i32
        %dma_start3A_191 = arith.constant 0 : i32
        %dma_start3A_192 = tpu.memref_slice %arg2[%dma_start3A_190, %dma_start3A_191] : memref<10240x64xf32, #tpu.memory_space<hbm>> -> memref<10240x64xf32, #tpu.memory_space<hbm>>
        tpu.enqueue_indirect_dma source(%dma_start3A_192 : memref<10240x64xf32, #tpu.memory_space<hbm>>) target(%arg10 : memref<128x64xf32, #tpu.memory_space<vmem>>) offsets(%dma_start3A_189 : memref<128xi32, #tpu.memory_space<vmem>>) semaphore(%arg15 : memref<!tpu.dma_semaphore, #tpu.memory_space<semaphore_mem>>)
      } else {
      }
      %add3A_154 = arith.constant 3 : i32
      %add3A_155 = arith.addi %add3A_76, %add3A_154 : i32
      %dma_wait3A_156 = arith.constant 0 : i32
      %dma_wait3A_157 = tpu.memref_slice %arg7[%add3A_155, %dma_wait3A_156] : memref<80x128xi32, #tpu.memory_space<vmem>> -> memref<1x128xi32, #tpu.memory_space<vmem>>
      %dma_wait3A_158 = tpu.memref_squeeze %dma_wait3A_157 : memref<1x128xi32, #tpu.memory_space<vmem>> -> memref<128xi32, #tpu.memory_space<vmem>>
      %dma_wait3A_159 = arith.constant 0 : i32
      %dma_wait3A_160 = arith.constant 0 : i32
      %dma_wait3A_161 = tpu.memref_slice %arg2[%dma_wait3A_159, %dma_wait3A_160] : memref<10240x64xf32, #tpu.memory_space<hbm>> -> memref<10240x64xf32, #tpu.memory_space<hbm>>
      tpu.wait_indirect_dma semaphore(%arg17 : memref<!tpu.dma_semaphore, #tpu.memory_space<semaphore_mem>>) src(%dma_wait3A_161 : memref<10240x64xf32, #tpu.memory_space<hbm>>) dst(%arg12 : memref<128x64xf32, #tpu.memory_space<vmem>>)
      %dma_start3A_162 = arith.constant 0 : i32
      %dma_start3A_163 = tpu.memref_slice %arg8[%add3A_155, %dma_start3A_162] : memref<80x128xi32, #tpu.memory_space<vmem>> -> memref<1x128xi32, #tpu.memory_space<vmem>>
      %dma_start3A_164 = tpu.memref_squeeze %dma_start3A_163 : memref<1x128xi32, #tpu.memory_space<vmem>> -> memref<128xi32, #tpu.memory_space<vmem>>
      %dma_start3A_165 = arith.constant 0 : i32
      %dma_start3A_166 = arith.constant 0 : i32
      %dma_start3A_167 = tpu.memref_slice %arg13[%dma_start3A_165, %dma_start3A_166] : memref<10112x64xf32, #tpu.memory_space<vmem_shared>> -> memref<10112x64xf32, #tpu.memory_space<vmem_shared>>
      tpu.enqueue_indirect_dma source(%arg12 : memref<128x64xf32, #tpu.memory_space<vmem>>) target(%dma_start3A_167 : memref<10112x64xf32, #tpu.memory_space<vmem_shared>>) offsets(%dma_start3A_164 : memref<128xi32, #tpu.memory_space<vmem>>) semaphore(%arg21 : memref<!tpu.dma_semaphore, #tpu.memory_space<semaphore_mem>>) {add = true}
      %add3A_168 = arith.constant 4 : i32
      %add3A_169 = arith.addi %add3A_155, %add3A_168 : i32
      %sub3A_170 = arith.constant 1 : i32
      %sub3A_171 = arith.subi %add3A_169, %sub3A_170 : i32
      %lt3A_172 = arith.constant 80 : i32
      %lt3A_173 = arith.cmpi slt, %sub3A_171, %lt3A_172 : i32
      %convert_element_type3A_174 = arith.extui %lt3A_173 : i1 to i32
      %cond3A_175 = arith.constant 0 : i32
      %cond3A_176 = arith.cmpi ne, %convert_element_type3A_174, %cond3A_175 : i32
      scf.if %cond3A_176 {
        %dma_wait3A_177 = arith.constant 0 : i32
        %dma_wait3A_178 = tpu.memref_slice %arg8[%add3A_155, %dma_wait3A_177] : memref<80x128xi32, #tpu.memory_space<vmem>> -> memref<1x128xi32, #tpu.memory_space<vmem>>
        %dma_wait3A_179 = tpu.memref_squeeze %dma_wait3A_178 : memref<1x128xi32, #tpu.memory_space<vmem>> -> memref<128xi32, #tpu.memory_space<vmem>>
        %dma_wait3A_180 = arith.constant 0 : i32
        %dma_wait3A_181 = arith.constant 0 : i32
        %dma_wait3A_182 = tpu.memref_slice %arg13[%dma_wait3A_180, %dma_wait3A_181] : memref<10112x64xf32, #tpu.memory_space<vmem_shared>> -> memref<10112x64xf32, #tpu.memory_space<vmem_shared>>
        tpu.wait_indirect_dma semaphore(%arg20 : memref<!tpu.dma_semaphore, #tpu.memory_space<semaphore_mem>>) src(%arg11 : memref<128x64xf32, #tpu.memory_space<vmem>>) dst(%dma_wait3A_182 : memref<10112x64xf32, #tpu.memory_space<vmem_shared>>)
        %add3A_183 = arith.constant 4 : i32
        %add3A_184 = arith.addi %add3A_155, %add3A_183 : i32
        %sub3A_185 = arith.constant 1 : i32
        %sub3A_186 = arith.subi %add3A_184, %sub3A_185 : i32
        %dma_start3A_187 = arith.constant 0 : i32
        %dma_start3A_188 = tpu.memref_slice %arg7[%sub3A_186, %dma_start3A_187] : memref<80x128xi32, #tpu.memory_space<vmem>> -> memref<1x128xi32, #tpu.memory_space<vmem>>
        %dma_start3A_189 = tpu.memref_squeeze %dma_start3A_188 : memref<1x128xi32, #tpu.memory_space<vmem>> -> memref<128xi32, #tpu.memory_space<vmem>>
        %dma_start3A_190 = arith.constant 0 : i32
        %dma_start3A_191 = arith.constant 0 : i32
        %dma_start3A_192 = tpu.memref_slice %arg2[%dma_start3A_190, %dma_start3A_191] : memref<10240x64xf32, #tpu.memory_space<hbm>> -> memref<10240x64xf32, #tpu.memory_space<hbm>>
        tpu.enqueue_indirect_dma source(%dma_start3A_192 : memref<10240x64xf32, #tpu.memory_space<hbm>>) target(%arg11 : memref<128x64xf32, #tpu.memory_space<vmem>>) offsets(%dma_start3A_189 : memref<128xi32, #tpu.memory_space<vmem>>) semaphore(%arg16 : memref<!tpu.dma_semaphore, #tpu.memory_space<semaphore_mem>>)
      } else {
      }
    }
    %scan3A_36 = arith.constant 20 : i32
    %dma_wait3A = arith.constant 0 : i32
    %dma_wait3A_37 = arith.constant 0 : i32
    %dma_wait3A_38 = tpu.memref_slice %arg8[%dma_wait3A, %dma_wait3A_37] : memref<80x128xi32, #tpu.memory_space<vmem>> -> memref<1x128xi32, #tpu.memory_space<vmem>>
    %dma_wait3A_39 = tpu.memref_squeeze %dma_wait3A_38 : memref<1x128xi32, #tpu.memory_space<vmem>> -> memref<128xi32, #tpu.memory_space<vmem>>
    %dma_wait3A_40 = arith.constant 0 : i32
    %dma_wait3A_41 = arith.constant 0 : i32
    %dma_wait3A_42 = tpu.memref_slice %arg13[%dma_wait3A_40, %dma_wait3A_41] : memref<10112x64xf32, #tpu.memory_space<vmem_shared>> -> memref<10112x64xf32, #tpu.memory_space<vmem_shared>>
    tpu.wait_indirect_dma semaphore(%arg18 : memref<!tpu.dma_semaphore, #tpu.memory_space<semaphore_mem>>) src(%arg9 : memref<128x64xf32, #tpu.memory_space<vmem>>) dst(%dma_wait3A_42 : memref<10112x64xf32, #tpu.memory_space<vmem_shared>>)
    %dma_wait3A_43 = arith.constant 0 : i32
    %dma_wait3A_44 = arith.constant 0 : i32
    %dma_wait3A_45 = tpu.memref_slice %arg8[%dma_wait3A_43, %dma_wait3A_44] : memref<80x128xi32, #tpu.memory_space<vmem>> -> memref<1x128xi32, #tpu.memory_space<vmem>>
    %dma_wait3A_46 = tpu.memref_squeeze %dma_wait3A_45 : memref<1x128xi32, #tpu.memory_space<vmem>> -> memref<128xi32, #tpu.memory_space<vmem>>
    %dma_wait3A_47 = arith.constant 0 : i32
    %dma_wait3A_48 = arith.constant 0 : i32
    %dma_wait3A_49 = tpu.memref_slice %arg13[%dma_wait3A_47, %dma_wait3A_48] : memref<10112x64xf32, #tpu.memory_space<vmem_shared>> -> memref<10112x64xf32, #tpu.memory_space<vmem_shared>>
    tpu.wait_indirect_dma semaphore(%arg19 : memref<!tpu.dma_semaphore, #tpu.memory_space<semaphore_mem>>) src(%arg10 : memref<128x64xf32, #tpu.memory_space<vmem>>) dst(%dma_wait3A_49 : memref<10112x64xf32, #tpu.memory_space<vmem_shared>>)
    %dma_wait3A_50 = arith.constant 0 : i32
    %dma_wait3A_51 = arith.constant 0 : i32
    %dma_wait3A_52 = tpu.memref_slice %arg8[%dma_wait3A_50, %dma_wait3A_51] : memref<80x128xi32, #tpu.memory_space<vmem>> -> memref<1x128xi32, #tpu.memory_space<vmem>>
    %dma_wait3A_53 = tpu.memref_squeeze %dma_wait3A_52 : memref<1x128xi32, #tpu.memory_space<vmem>> -> memref<128xi32, #tpu.memory_space<vmem>>
    %dma_wait3A_54 = arith.constant 0 : i32
    %dma_wait3A_55 = arith.constant 0 : i32
    %dma_wait3A_56 = tpu.memref_slice %arg13[%dma_wait3A_54, %dma_wait3A_55] : memref<10112x64xf32, #tpu.memory_space<vmem_shared>> -> memref<10112x64xf32, #tpu.memory_space<vmem_shared>>
    tpu.wait_indirect_dma semaphore(%arg20 : memref<!tpu.dma_semaphore, #tpu.memory_space<semaphore_mem>>) src(%arg11 : memref<128x64xf32, #tpu.memory_space<vmem>>) dst(%dma_wait3A_56 : memref<10112x64xf32, #tpu.memory_space<vmem_shared>>)
    %dma_wait3A_57 = arith.constant 0 : i32
    %dma_wait3A_58 = arith.constant 0 : i32
    %dma_wait3A_59 = tpu.memref_slice %arg8[%dma_wait3A_57, %dma_wait3A_58] : memref<80x128xi32, #tpu.memory_space<vmem>> -> memref<1x128xi32, #tpu.memory_space<vmem>>
    %dma_wait3A_60 = tpu.memref_squeeze %dma_wait3A_59 : memref<1x128xi32, #tpu.memory_space<vmem>> -> memref<128xi32, #tpu.memory_space<vmem>>
    %dma_wait3A_61 = arith.constant 0 : i32
    %dma_wait3A_62 = arith.constant 0 : i32
    %dma_wait3A_63 = tpu.memref_slice %arg13[%dma_wait3A_61, %dma_wait3A_62] : memref<10112x64xf32, #tpu.memory_space<vmem_shared>> -> memref<10112x64xf32, #tpu.memory_space<vmem_shared>>
    tpu.wait_indirect_dma semaphore(%arg21 : memref<!tpu.dma_semaphore, #tpu.memory_space<semaphore_mem>>) src(%arg12 : memref<128x64xf32, #tpu.memory_space<vmem>>) dst(%dma_wait3A_63 : memref<10112x64xf32, #tpu.memory_space<vmem_shared>>)
    %barrier3A_64 = arith.constant 0 : index
    tpu.barrier barrier_id(%barrier3A_64)
    %mul3A_65 = arith.constant 632 : i32
    %mul3A_66 = arith.muli %arg1, %mul3A_65 : i32
    %mul3A_67 = arith.constant 10112 : i32
    %mul3A_68 = arith.muli %arg0, %mul3A_67 : i32
    %mul3A_69 = arith.constant 632 : i32
    %mul3A_70 = arith.muli %arg1, %mul3A_69 : i32
    %add3A_71 = arith.addi %mul3A_68, %mul3A_70 : i32
    "tpu.region"() ({
      %run_scoped3A = tpu.sem_alloc : memref<!tpu.dma_semaphore, #tpu.memory_space<semaphore_mem>>
      %dma_start3A_72 = arith.constant 0 : i32
      %dma_start3A_73 = tpu.memref_slice %arg6[%add3A_71, %dma_start3A_72] : memref<20224x64xf32, #tpu.memory_space<hbm>> -> memref<632x64xf32, #tpu.memory_space<hbm>>
      %dma_start3A_74 = arith.constant 0 : i32
      %dma_start3A_75 = tpu.memref_slice %arg13[%mul3A_66, %dma_start3A_74] : memref<10112x64xf32, #tpu.memory_space<vmem_shared>> -> memref<632x64xf32, #tpu.memory_space<vmem_shared>>
      tpu.enqueue_dma source(%dma_start3A_75 : memref<632x64xf32, #tpu.memory_space<vmem_shared>>) target(%dma_start3A_73 : memref<632x64xf32, #tpu.memory_space<hbm>>) target_semaphore(%run_scoped3A : memref<!tpu.dma_semaphore, #tpu.memory_space<semaphore_mem>>)
      %dma_wait3A_76 = arith.constant 0 : i32
      %dma_wait3A_77 = tpu.memref_slice %arg6[%add3A_71, %dma_wait3A_76] : memref<20224x64xf32, #tpu.memory_space<hbm>> -> memref<632x64xf32, #tpu.memory_space<hbm>>
      %dma_wait3A_78 = arith.constant 0 : i32
      %dma_wait3A_79 = tpu.memref_slice %arg13[%mul3A_66, %dma_wait3A_78] : memref<10112x64xf32, #tpu.memory_space<vmem_shared>> -> memref<632x64xf32, #tpu.memory_space<vmem_shared>>
      tpu.wait_dma2 semaphore(%run_scoped3A : memref<!tpu.dma_semaphore, #tpu.memory_space<semaphore_mem>>) src(%dma_wait3A_79 : memref<632x64xf32, #tpu.memory_space<vmem_shared>>) dst(%dma_wait3A_77 : memref<632x64xf32, #tpu.memory_space<hbm>>)
      tpu.yield
    }) : () -> ()
    return
  }
}

module attributes {stable_mosaic.version = 14 : i64} {
  func.func @_proj_body(%arg0: memref<10000x128xf32, #tpu.memory_space<vmem>>, %arg1: memref<128x128xf32, #tpu.memory_space<vmem>>, %arg2: memref<10240x128xf32, #tpu.memory_space<vmem>>) attributes {dimension_semantics = [], scalar_prefetch = 0 : i64, scratch_operands = 0 : i64, tpu.core_type = #tpu.core_type<tc>} {
    %get3A = arith.constant 0 : index
    %get3A_0 = arith.constant 0 : index
    %get3A_1 = vector.load %arg0[%get3A, %get3A_0] : memref<10000x128xf32, #tpu.memory_space<vmem>>, vector<10000x128xf32>
    %get3A_2 = arith.constant 0 : index
    %get3A_3 = arith.constant 0 : index
    %get3A_4 = vector.load %arg1[%get3A_2, %get3A_3] : memref<128x128xf32, #tpu.memory_space<vmem>>, vector<128x128xf32>
    %dot_general3A = arith.constant dense<0.000000e+00> : vector<10000x128xf32>
    %dot_general3A_5 = tpu.matmul %get3A_1, %get3A_4, %dot_general3A {dimension_numbers = #tpu.dot_dimension_numbers<[1], [0], [0], [1], [0, 0, 1, 1], [], []>, precision = #tpu.contract_precision<fp32>, transpose_lhs_hint = false} : vector<10000x128xf32>, vector<128x128xf32>, vector<10000x128xf32> -> vector<10000x128xf32>
    %swap3A = arith.constant 0 : index
    %swap3A_6 = arith.constant 0 : index
    %swap3A_7 = vector.load %arg2[%swap3A, %swap3A_6] : memref<10240x128xf32, #tpu.memory_space<vmem>>, vector<10000x128xf32>
    tpu.vector_store %arg2[%swap3A, %swap3A_6], %dot_general3A_5 {strides = array<i32>} : memref<10240x128xf32, #tpu.memory_space<vmem>>, vector<10000x128xf32>,
    %broadcast_in_dim3A = arith.constant 0.000000e+00 : f32
    %broadcast_in_dim3A_8 = vector.broadcast %broadcast_in_dim3A : f32 to vector<240x128xf32>
    %swap3A_9 = arith.constant 10000 : index
    %swap3A_10 = arith.constant 0 : index
    %swap3A_11 = vector.load %arg2[%swap3A_9, %swap3A_10] : memref<10240x128xf32, #tpu.memory_space<vmem>>, vector<240x128xf32>
    tpu.vector_store %arg2[%swap3A_9, %swap3A_10], %broadcast_in_dim3A_8 {strides = array<i32>} : memref<10240x128xf32, #tpu.memory_space<vmem>>, vector<240x128xf32>,
    return
  }
}

module attributes {stable_mosaic.version = 14 : i64} {
  func.func @_layer_body(%arg0: memref<20224x128xf32, #tpu.memory_space<vmem>>, %arg1: memref<10000x128xf32, #tpu.memory_space<vmem>>, %arg2: memref<128x128xf32, #tpu.memory_space<vmem>>, %arg3: memref<1x128xf32, #tpu.memory_space<vmem>>, %arg4: memref<1x128xf32, #tpu.memory_space<vmem>>, %arg5: memref<1x128xf32, #tpu.memory_space<vmem>>, %arg6: memref<128x64xf32, #tpu.memory_space<vmem>>, %arg7: memref<10240x64xf32, #tpu.memory_space<vmem>>, %arg8: memref<10000x128xf32, #tpu.memory_space<vmem>>) attributes {dimension_semantics = [], scalar_prefetch = 0 : i64, scratch_operands = 0 : i64, tpu.core_type = #tpu.core_type<tc>} {
    %get3A = arith.constant 0 : index
    %get3A_0 = arith.constant 0 : index
    %get3A_1 = vector.load %arg0[%get3A, %get3A_0] : memref<20224x128xf32, #tpu.memory_space<vmem>>, vector<10000x128xf32>
    %get3A_2 = arith.constant 10112 : index
    %get3A_3 = arith.constant 0 : index
    %get3A_4 = vector.load %arg0[%get3A_2, %get3A_3] : memref<20224x128xf32, #tpu.memory_space<vmem>>, vector<10000x128xf32>
    %add3A = arith.addf %get3A_1, %get3A_4 : vector<10000x128xf32>
    %get3A_5 = arith.constant 0 : index
    %get3A_6 = arith.constant 0 : index
    %get3A_7 = vector.load %arg1[%get3A_5, %get3A_6] : memref<10000x128xf32, #tpu.memory_space<vmem>>, vector<10000x128xf32>
    %get3A_8 = arith.constant 0 : index
    %get3A_9 = arith.constant 0 : index
    %get3A_10 = vector.load %arg2[%get3A_8, %get3A_9] : memref<128x128xf32, #tpu.memory_space<vmem>>, vector<128x128xf32>
    %dot_general3A = arith.constant dense<0.000000e+00> : vector<10000x128xf32>
    %dot_general3A_11 = tpu.matmul %get3A_7, %get3A_10, %dot_general3A {dimension_numbers = #tpu.dot_dimension_numbers<[1], [0], [0], [1], [0, 0, 1, 1], [], []>, precision = #tpu.contract_precision<fp32>, transpose_lhs_hint = false} : vector<10000x128xf32>, vector<128x128xf32>, vector<10000x128xf32> -> vector<10000x128xf32>
    %add3A_12 = arith.addf %add3A, %dot_general3A_11 : vector<10000x128xf32>
    %get3A_13 = arith.constant 0 : index
    %get3A_14 = arith.constant 0 : index
    %get3A_15 = vector.load %arg3[%get3A_13, %get3A_14] : memref<1x128xf32, #tpu.memory_space<vmem>>, vector<1x128xf32>
    %add3A_16 = vector.broadcast %get3A_15 : vector<1x128xf32> to vector<10000x128xf32>
    %add3A_17 = arith.addf %add3A_12, %add3A_16 : vector<10000x128xf32>
    %reduce_sum3A = arith.constant dense<0.000000e+00> : vector<128xf32>
    %reduce_sum3A_18 = vector.multi_reduction <add>, %add3A_17, %reduce_sum3A [0] : vector<10000x128xf32> to vector<128xf32>
    %broadcast_in_dim3A = vector.shape_cast %reduce_sum3A_18 : vector<128xf32> to vector<1x128xf32>
    %div3A = arith.constant 1.000000e+04 : f32
    %div3A_19 = vector.broadcast %div3A : f32 to vector<1x128xf32>
    %div3A_20 = arith.divf %broadcast_in_dim3A, %div3A_19 : vector<1x128xf32>
    %sub3A = vector.broadcast %div3A_20 : vector<1x128xf32> to vector<10000x128xf32>
    %sub3A_21 = arith.subf %add3A_17, %sub3A : vector<10000x128xf32>
    %square3A = arith.mulf %sub3A_21, %sub3A_21 : vector<10000x128xf32>
    %reduce_sum3A_22 = arith.constant dense<0.000000e+00> : vector<128xf32>
    %reduce_sum3A_23 = vector.multi_reduction <add>, %square3A, %reduce_sum3A_22 [0] : vector<10000x128xf32> to vector<128xf32>
    %broadcast_in_dim3A_24 = vector.shape_cast %reduce_sum3A_23 : vector<128xf32> to vector<1x128xf32>
    %div3A_25 = arith.constant 1.000000e+04 : f32
    %div3A_26 = vector.broadcast %div3A_25 : f32 to vector<1x128xf32>
    %div3A_27 = arith.divf %broadcast_in_dim3A_24, %div3A_26 : vector<1x128xf32>
    %sub3A_28 = vector.broadcast %div3A_20 : vector<1x128xf32> to vector<10000x128xf32>
    %sub3A_29 = arith.subf %add3A_17, %sub3A_28 : vector<10000x128xf32>
    %add3A_30 = arith.constant 9.99999974E-6 : f32
    %add3A_31 = vector.broadcast %add3A_30 : f32 to vector<1x128xf32>
    %add3A_32 = arith.addf %div3A_27, %add3A_31 : vector<1x128xf32>
    %sqrt3A = math.sqrt %add3A_32 : vector<1x128xf32>
    %div3A_33 = vector.broadcast %sqrt3A : vector<1x128xf32> to vector<10000x128xf32>
    %div3A_34 = arith.divf %sub3A_29, %div3A_33 : vector<10000x128xf32>
    %get3A_35 = arith.constant 0 : index
    %get3A_36 = arith.constant 0 : index
    %get3A_37 = vector.load %arg4[%get3A_35, %get3A_36] : memref<1x128xf32, #tpu.memory_space<vmem>>, vector<1x128xf32>
    %mul3A = vector.broadcast %get3A_37 : vector<1x128xf32> to vector<10000x128xf32>
    %mul3A_38 = arith.mulf %div3A_34, %mul3A : vector<10000x128xf32>
    %get3A_39 = arith.constant 0 : index
    %get3A_40 = arith.constant 0 : index
    %get3A_41 = vector.load %arg5[%get3A_39, %get3A_40] : memref<1x128xf32, #tpu.memory_space<vmem>>, vector<1x128xf32>
    %add3A_42 = vector.broadcast %get3A_41 : vector<1x128xf32> to vector<10000x128xf32>
    %add3A_43 = arith.addf %mul3A_38, %add3A_42 : vector<10000x128xf32>
    %max3A = arith.constant 0.000000e+00 : f32
    %max3A_44 = vector.broadcast %max3A : f32 to vector<10000x128xf32>
    %max3A_45 = arith.maximumf %add3A_43, %max3A_44 : vector<10000x128xf32>
    %swap3A = arith.constant 0 : index
    %swap3A_46 = arith.constant 0 : index
    %swap3A_47 = vector.load %arg8[%swap3A, %swap3A_46] : memref<10000x128xf32, #tpu.memory_space<vmem>>, vector<10000x128xf32>
    tpu.vector_store %arg8[%swap3A, %swap3A_46], %max3A_45 {strides = array<i32>} : memref<10000x128xf32, #tpu.memory_space<vmem>>, vector<10000x128xf32>,
    %get3A_48 = arith.constant 0 : index
    %get3A_49 = arith.constant 0 : index
    %get3A_50 = vector.load %arg6[%get3A_48, %get3A_49] : memref<128x64xf32, #tpu.memory_space<vmem>>, vector<128x64xf32>
    %dot_general3A_51 = arith.constant dense<0.000000e+00> : vector<10000x64xf32>
    %dot_general3A_52 = tpu.matmul %max3A_45, %get3A_50, %dot_general3A_51 {dimension_numbers = #tpu.dot_dimension_numbers<[1], [0], [0], [1], [0, 0, 1, 1], [], []>, precision = #tpu.contract_precision<fp32>, transpose_lhs_hint = false} : vector<10000x128xf32>, vector<128x64xf32>, vector<10000x64xf32> -> vector<10000x64xf32>
    %swap3A_53 = arith.constant 0 : index
    %swap3A_54 = arith.constant 0 : index
    %swap3A_55 = vector.load %arg7[%swap3A_53, %swap3A_54] : memref<10240x64xf32, #tpu.memory_space<vmem>>, vector<10000x64xf32>
    tpu.vector_store %arg7[%swap3A_53, %swap3A_54], %dot_general3A_52 {strides = array<i32>} : memref<10240x64xf32, #tpu.memory_space<vmem>>, vector<10000x64xf32>,
    %broadcast_in_dim3A_56 = arith.constant 0.000000e+00 : f32
    %broadcast_in_dim3A_57 = vector.broadcast %broadcast_in_dim3A_56 : f32 to vector<240x64xf32>
    %swap3A_58 = arith.constant 10000 : index
    %swap3A_59 = arith.constant 0 : index
    %swap3A_60 = vector.load %arg7[%swap3A_58, %swap3A_59] : memref<10240x64xf32, #tpu.memory_space<vmem>>, vector<240x64xf32>
    tpu.vector_store %arg7[%swap3A_58, %swap3A_59], %broadcast_in_dim3A_57 {strides = array<i32>} : memref<10240x64xf32, #tpu.memory_space<vmem>>, vector<240x64xf32>,
    return
  }
}

module attributes {stable_mosaic.version = 14 : i64} {
  func.func @_layer_body(%arg0: memref<20224x64xf32, #tpu.memory_space<vmem>>, %arg1: memref<10000x128xf32, #tpu.memory_space<vmem>>, %arg2: memref<128x64xf32, #tpu.memory_space<vmem>>, %arg3: memref<1x64xf32, #tpu.memory_space<vmem>>, %arg4: memref<1x64xf32, #tpu.memory_space<vmem>>, %arg5: memref<1x64xf32, #tpu.memory_space<vmem>>, %arg6: memref<64x16xf32, #tpu.memory_space<vmem>>, %arg7: memref<10240x16xf32, #tpu.memory_space<vmem>>, %arg8: memref<10000x64xf32, #tpu.memory_space<vmem>>) attributes {dimension_semantics = [], scalar_prefetch = 0 : i64, scratch_operands = 0 : i64, tpu.core_type = #tpu.core_type<tc>} {
    %get3A = arith.constant 0 : index
    %get3A_0 = arith.constant 0 : index
    %get3A_1 = vector.load %arg0[%get3A, %get3A_0] : memref<20224x64xf32, #tpu.memory_space<vmem>>, vector<10000x64xf32>
    %get3A_2 = arith.constant 10112 : index
    %get3A_3 = arith.constant 0 : index
    %get3A_4 = vector.load %arg0[%get3A_2, %get3A_3] : memref<20224x64xf32, #tpu.memory_space<vmem>>, vector<10000x64xf32>
    %add3A = arith.addf %get3A_1, %get3A_4 : vector<10000x64xf32>
    %get3A_5 = arith.constant 0 : index
    %get3A_6 = arith.constant 0 : index
    %get3A_7 = vector.load %arg1[%get3A_5, %get3A_6] : memref<10000x128xf32, #tpu.memory_space<vmem>>, vector<10000x128xf32>
    %get3A_8 = arith.constant 0 : index
    %get3A_9 = arith.constant 0 : index
    %get3A_10 = vector.load %arg2[%get3A_8, %get3A_9] : memref<128x64xf32, #tpu.memory_space<vmem>>, vector<128x64xf32>
    %dot_general3A = arith.constant dense<0.000000e+00> : vector<10000x64xf32>
    %dot_general3A_11 = tpu.matmul %get3A_7, %get3A_10, %dot_general3A {dimension_numbers = #tpu.dot_dimension_numbers<[1], [0], [0], [1], [0, 0, 1, 1], [], []>, precision = #tpu.contract_precision<fp32>, transpose_lhs_hint = false} : vector<10000x128xf32>, vector<128x64xf32>, vector<10000x64xf32> -> vector<10000x64xf32>
    %add3A_12 = arith.addf %add3A, %dot_general3A_11 : vector<10000x64xf32>
    %get3A_13 = arith.constant 0 : index
    %get3A_14 = arith.constant 0 : index
    %get3A_15 = vector.load %arg3[%get3A_13, %get3A_14] : memref<1x64xf32, #tpu.memory_space<vmem>>, vector<1x64xf32>
    %add3A_16 = vector.broadcast %get3A_15 : vector<1x64xf32> to vector<10000x64xf32>
    %add3A_17 = arith.addf %add3A_12, %add3A_16 : vector<10000x64xf32>
    %reduce_sum3A = arith.constant dense<0.000000e+00> : vector<64xf32>
    %reduce_sum3A_18 = vector.multi_reduction <add>, %add3A_17, %reduce_sum3A [0] : vector<10000x64xf32> to vector<64xf32>
    %broadcast_in_dim3A = vector.shape_cast %reduce_sum3A_18 : vector<64xf32> to vector<1x64xf32>
    %div3A = arith.constant 1.000000e+04 : f32
    %div3A_19 = vector.broadcast %div3A : f32 to vector<1x64xf32>
    %div3A_20 = arith.divf %broadcast_in_dim3A, %div3A_19 : vector<1x64xf32>
    %sub3A = vector.broadcast %div3A_20 : vector<1x64xf32> to vector<10000x64xf32>
    %sub3A_21 = arith.subf %add3A_17, %sub3A : vector<10000x64xf32>
    %square3A = arith.mulf %sub3A_21, %sub3A_21 : vector<10000x64xf32>
    %reduce_sum3A_22 = arith.constant dense<0.000000e+00> : vector<64xf32>
    %reduce_sum3A_23 = vector.multi_reduction <add>, %square3A, %reduce_sum3A_22 [0] : vector<10000x64xf32> to vector<64xf32>
    %broadcast_in_dim3A_24 = vector.shape_cast %reduce_sum3A_23 : vector<64xf32> to vector<1x64xf32>
    %div3A_25 = arith.constant 1.000000e+04 : f32
    %div3A_26 = vector.broadcast %div3A_25 : f32 to vector<1x64xf32>
    %div3A_27 = arith.divf %broadcast_in_dim3A_24, %div3A_26 : vector<1x64xf32>
    %sub3A_28 = vector.broadcast %div3A_20 : vector<1x64xf32> to vector<10000x64xf32>
    %sub3A_29 = arith.subf %add3A_17, %sub3A_28 : vector<10000x64xf32>
    %add3A_30 = arith.constant 9.99999974E-6 : f32
    %add3A_31 = vector.broadcast %add3A_30 : f32 to vector<1x64xf32>
    %add3A_32 = arith.addf %div3A_27, %add3A_31 : vector<1x64xf32>
    %sqrt3A = math.sqrt %add3A_32 : vector<1x64xf32>
    %div3A_33 = vector.broadcast %sqrt3A : vector<1x64xf32> to vector<10000x64xf32>
    %div3A_34 = arith.divf %sub3A_29, %div3A_33 : vector<10000x64xf32>
    %get3A_35 = arith.constant 0 : index
    %get3A_36 = arith.constant 0 : index
    %get3A_37 = vector.load %arg4[%get3A_35, %get3A_36] : memref<1x64xf32, #tpu.memory_space<vmem>>, vector<1x64xf32>
    %mul3A = vector.broadcast %get3A_37 : vector<1x64xf32> to vector<10000x64xf32>
    %mul3A_38 = arith.mulf %div3A_34, %mul3A : vector<10000x64xf32>
    %get3A_39 = arith.constant 0 : index
    %get3A_40 = arith.constant 0 : index
    %get3A_41 = vector.load %arg5[%get3A_39, %get3A_40] : memref<1x64xf32, #tpu.memory_space<vmem>>, vector<1x64xf32>
    %add3A_42 = vector.broadcast %get3A_41 : vector<1x64xf32> to vector<10000x64xf32>
    %add3A_43 = arith.addf %mul3A_38, %add3A_42 : vector<10000x64xf32>
    %max3A = arith.constant 0.000000e+00 : f32
    %max3A_44 = vector.broadcast %max3A : f32 to vector<10000x64xf32>
    %max3A_45 = arith.maximumf %add3A_43, %max3A_44 : vector<10000x64xf32>
    %swap3A = arith.constant 0 : index
    %swap3A_46 = arith.constant 0 : index
    %swap3A_47 = vector.load %arg8[%swap3A, %swap3A_46] : memref<10000x64xf32, #tpu.memory_space<vmem>>, vector<10000x64xf32>
    tpu.vector_store %arg8[%swap3A, %swap3A_46], %max3A_45 {strides = array<i32>} : memref<10000x64xf32, #tpu.memory_space<vmem>>, vector<10000x64xf32>,
    %get3A_48 = arith.constant 0 : index
    %get3A_49 = arith.constant 0 : index
    %get3A_50 = vector.load %arg6[%get3A_48, %get3A_49] : memref<64x16xf32, #tpu.memory_space<vmem>>, vector<64x16xf32>
    %dot_general3A_51 = arith.constant dense<0.000000e+00> : vector<10000x16xf32>
    %dot_general3A_52 = tpu.matmul %max3A_45, %get3A_50, %dot_general3A_51 {dimension_numbers = #tpu.dot_dimension_numbers<[1], [0], [0], [1], [0, 0, 1, 1], [], []>, precision = #tpu.contract_precision<fp32>, transpose_lhs_hint = false} : vector<10000x64xf32>, vector<64x16xf32>, vector<10000x16xf32> -> vector<10000x16xf32>
    %swap3A_53 = arith.constant 0 : index
    %swap3A_54 = arith.constant 0 : index
    %swap3A_55 = vector.load %arg7[%swap3A_53, %swap3A_54] : memref<10240x16xf32, #tpu.memory_space<vmem>>, vector<10000x16xf32>
    tpu.vector_store %arg7[%swap3A_53, %swap3A_54], %dot_general3A_52 {strides = array<i32>} : memref<10240x16xf32, #tpu.memory_space<vmem>>, vector<10000x16xf32>,
    %broadcast_in_dim3A_56 = arith.constant 0.000000e+00 : f32
    %broadcast_in_dim3A_57 = vector.broadcast %broadcast_in_dim3A_56 : f32 to vector<240x16xf32>
    %swap3A_58 = arith.constant 10000 : index
    %swap3A_59 = arith.constant 0 : index
    %swap3A_60 = vector.load %arg7[%swap3A_58, %swap3A_59] : memref<10240x16xf32, #tpu.memory_space<vmem>>, vector<240x16xf32>
    tpu.vector_store %arg7[%swap3A_58, %swap3A_59], %broadcast_in_dim3A_57 {strides = array<i32>} : memref<10240x16xf32, #tpu.memory_space<vmem>>, vector<240x16xf32>,
    return
  }
}

module attributes {stable_mosaic.version = 14 : i64} {
  func.func @_final_body(%arg0: memref<20224x16xf32, #tpu.memory_space<vmem>>, %arg1: memref<10000x64xf32, #tpu.memory_space<vmem>>, %arg2: memref<64x2xf32, #tpu.memory_space<vmem>>, %arg3: memref<1x2xf32, #tpu.memory_space<vmem>>, %arg4: memref<10000x2xf32, #tpu.memory_space<vmem>>) attributes {dimension_semantics = [], scalar_prefetch = 0 : i64, scratch_operands = 0 : i64, tpu.core_type = #tpu.core_type<tc>} {
    %get3A = arith.constant 0 : index
    %get3A_0 = arith.constant 0 : index
    %get3A_1 = vector.load %arg0[%get3A, %get3A_0] : memref<20224x16xf32, #tpu.memory_space<vmem>>, vector<10000x2xf32>
    %get3A_2 = arith.constant 10112 : index
    %get3A_3 = arith.constant 0 : index
    %get3A_4 = vector.load %arg0[%get3A_2, %get3A_3] : memref<20224x16xf32, #tpu.memory_space<vmem>>, vector<10000x2xf32>
    %add3A = arith.addf %get3A_1, %get3A_4 : vector<10000x2xf32>
    %get3A_5 = arith.constant 0 : index
    %get3A_6 = arith.constant 0 : index
    %get3A_7 = vector.load %arg1[%get3A_5, %get3A_6] : memref<10000x64xf32, #tpu.memory_space<vmem>>, vector<10000x64xf32>
    %get3A_8 = arith.constant 0 : index
    %get3A_9 = arith.constant 0 : index
    %get3A_10 = vector.load %arg2[%get3A_8, %get3A_9] : memref<64x2xf32, #tpu.memory_space<vmem>>, vector<64x2xf32>
    %dot_general3A = arith.constant dense<0.000000e+00> : vector<10000x2xf32>
    %dot_general3A_11 = tpu.matmul %get3A_7, %get3A_10, %dot_general3A {dimension_numbers = #tpu.dot_dimension_numbers<[1], [0], [0], [1], [0, 0, 1, 1], [], []>, precision = #tpu.contract_precision<fp32>, transpose_lhs_hint = false} : vector<10000x64xf32>, vector<64x2xf32>, vector<10000x2xf32> -> vector<10000x2xf32>
    %add3A_12 = arith.addf %add3A, %dot_general3A_11 : vector<10000x2xf32>
    %get3A_13 = arith.constant 0 : index
    %get3A_14 = arith.constant 0 : index
    %get3A_15 = vector.load %arg3[%get3A_13, %get3A_14] : memref<1x2xf32, #tpu.memory_space<vmem>>, vector<1x2xf32>
    %add3A_16 = vector.broadcast %get3A_15 : vector<1x2xf32> to vector<10000x2xf32>
    %add3A_17 = arith.addf %add3A_12, %add3A_16 : vector<10000x2xf32>
    %swap3A = arith.constant 0 : index
    %swap3A_18 = arith.constant 0 : index
    %swap3A_19 = vector.load %arg4[%swap3A, %swap3A_18] : memref<10000x2xf32, #tpu.memory_space<vmem>>, vector<10000x2xf32>
    tpu.vector_store %arg4[%swap3A, %swap3A_18], %add3A_17 {strides = array<i32>} : memref<10000x2xf32, #tpu.memory_space<vmem>>, vector<10000x2xf32>,
    return
  }
}

</mosaic_0001>

<sc_bundles>
// kernel: kernel.12.cloned.1.call-start
scs
__scs_entry_jumppad:
0x0: {  	(pc) =	sbr.rel $0x88, $3  }
0x1: {  	(tag) =	ssettag $0x0;
	lr =	simm.s32 $0x1  }
0x2: {  	[smem:$0x3F92] =	sst lr;
	_ =	strace $0xD0000000  }
0x3: {  	_ = 	snop  }
0x4: {  	_ = 	snop  }
0x5: {  	_ = 	snop  }
0x6: {  	_ = 	snop  }
0x7: {  	_ = 	snop  }
__scs_overlays_trampoline_lowered:
0x8: {  	[smem:$0x3FA1] =	sst s0  }
0x9: {  	[smem:$0x3FA2] =	sst s1  }
0xa: {  	[smem:$0x3FA3] =	sst s2  }
0xb: {  	[smem:$0x3FA4] =	sst s3  }
0xc: {  	[smem:$0x3FA5] =	sst s4  }
0xd: {  	[smem:$0x3FA6] =	sst s5  }
0xe: {  	[smem:$0x3FA7] =	sst s6  }
0xf: {  	[smem:$0x3FA8] =	sst s7  }
0x10: {  	[smem:$0x3FA9] =	sst s8  }
0x11: {  	[smem:$0x3FAA] =	sst s9;
	s0 =	simm.s32 @!p0 $0x0  }
0x12: {  	s1 =	sld [smem:$0x3F90];
	s0 =	simm.s32 @p0 $0x1  }
0x13: {  	[smem:$0x3FAB] =	sst s0;
	s0 =	simm.s32 @!p1 $0x0  }
0x14: {  	s2 =	sld [smem:$0x3F8F];
	s0 =	simm.s32 @p1 $0x1  }
0x15: {  	[smem:$0x3FAC] =	sst s0;
	s0 =	simm.s32 @!p2 $0x0  }
0x16: {  	s3 =	sld [smem:$0x3FDB];
	s0 =	simm.s32 @p2 $0x1  }
0x17: {  	s4 =	simm.s32 $0x1BF5;
	[smem:$0x3FAE] =	sst s0  }
0x18: {  	s0 =	sld [smem:$0x3F91];
	_ =	swait.ge [sflag:s4], $0x0  }
0x19: {  	s7 =	sld [smem:$0x3F92]  }
0x1a: {  	s8 =	sadd.s32 $0xFFFFE003, lr  }
0x1b: {  	s9 =	sadd.s32 $0xFFFFFEF7, lr;
	s5 =	simm.s32 $0xFFFFFFFF;
	p2 =	slt.u32 s8, $0xFFFFF086  }
0x1c: {  	p1 =	slt.u32 s9, $0xF7A;
	s5 =	simm.s32 @!p2 $0x0  }
0x1d: {  	s5 =	simm.s32 @p1 $0x1;
	p0 =	seq.s32 s7, s2  }
0x1e: {  	s7 =	smul.u32 @!p0 $0xF7A, s2;
	p2 =	seq.s32 @!p0 s5, $0x0  }
0x1f: {  	s9 =	smul.u32 $0xF7A, s1;
	s8 =	simm.s32 @!p0 $0x1BF5;
	p2 =	por !p2, p0  }
0x20: {  	[sflag:s8] =	ssyncset.s32 @!p0 $0xFFFFF086;
	s6 =	sadd.s32 @!p0 s3, s7;
	s7 =	simm.s32 @!p0 $0x108  }
0x21: {  	s3 =	sadd.s32 s3, s9;
	s6 =	sadd.s32 @!p0 $0x88, s6;
	s7 =	simm.s32 @p2 $0x1082  }
0x22: {  	[simem:s7], [sflag:s8] =	dma.local @!p0 [hbm:s6], $0xF7A  }
0x23: {  	s9 =	sor.u32 $0xD0000000, s2;
	s6 =	simm.s32 $0x108;
	_ =	swait.ge @!p0 [sflag:s8], $0x0  }
0x24: {  	s3 =	sadd.s32 $0x88, s3;
	s6 =	simm.s32 @!p1 $0x1082;
	[sflag:s4] =	ssyncset.s32 $0xFFFFF086  }
0x25: {  	[simem:s6], [sflag:s4] =	dma.local [hbm:s3], $0xF7A  }
0x26: {  	[smem:$0x3F92] =	sst s1;
	(tag) =	ssettag s2;
	_ =	strace s9  }
0x27: {  	s1 =	sld [smem:$0x3FA2]  }
0x28: {  	s2 =	sld [smem:$0x3FA3]  }
0x29: {  	s4 =	sld [smem:$0x3FA5]  }
0x2a: {  	p0 =	seq.s32 s5, $0x0;
	s5 =	sld [smem:$0x3FA6]  }
0x2b: {  	s6 =	sld [smem:$0x3FA7]  }
0x2c: {  	s7 =	sld [smem:$0x3FA8]  }
0x2d: {  	s3 =	simm.s32 $0x108;
	s8 =	sld [smem:$0x3FA9]  }
0x2e: {  	s3 =	simm.s32 @!p0 $0x1082;
	s9 =	sld [smem:$0x3FAA]  }
0x2f: {  	lr =	sadd.s32 s0, s3;
	s0 =	sld [smem:$0x3FA1]  }
0x30: {  	s3 =	sld [smem:$0x3FA4]  }
0x31: {  	[smem:$0x3FAD] =	sst s10  }
0x32: {  	s10 =	sld [smem:$0x3FAB];
	_ =	sdelay $0x3  }
0x33: {  	p0 =	seq.s32 s10, $0x1;
	s10 =	sld [smem:$0x3FAD];
	_ =	sdelay $0x3  }
0x34: {  	[smem:$0x3FAD] =	sst s10  }
0x35: {  	s10 =	sld [smem:$0x3FAC];
	_ =	sdelay $0x3  }
0x36: {  	p1 =	seq.s32 s10, $0x1;
	s10 =	sld [smem:$0x3FAD];
	_ =	sdelay $0x3  }
0x37: {  	[smem:$0x3FAD] =	sst s10  }
0x38: {  	s10 =	sld [smem:$0x3FAE]  }
0x39: {  	_ = 	snop;
	(pc) =	sbr.ind lr, $3  }
0x3a: {  	_ = 	snop  }
0x3b: {  	_ = 	snop  }
0x3c: {  	p2 =	seq.s32 s10, $0x1;
	s10 =	sld [smem:$0x3FAD]  }
0x3d: {  	_ =	shalt  }
0x3e: {  	_ =	shalt  }
0x3f: {  	_ =	shalt  }
0x40: {  	_ =	shalt  }
0x41: {  	_ =	shalt  }
0x42: {  	_ =	shalt  }
0x43: {  	_ =	shalt  }
0x44: {  	_ =	shalt  }
0x45: {  	_ =	shalt  }
0x46: {  	_ =	shalt  }
0x47: {  	_ =	shalt  }
0x48: {  	_ =	shalt  }
0x49: {  	_ =	shalt  }
0x4a: {  	_ =	shalt  }
0x4b: {  	_ =	shalt  }
0x4c: {  	_ =	shalt  }
0x4d: {  	_ =	shalt  }
0x4e: {  	_ =	shalt  }
0x4f: {  	_ =	shalt  }
0x50: {  	_ =	shalt  }
0x51: {  	_ =	shalt  }
0x52: {  	_ =	shalt  }
0x53: {  	_ =	shalt  }
0x54: {  	_ =	shalt  }
0x55: {  	_ =	shalt  }
0x56: {  	_ =	shalt  }
0x57: {  	_ =	shalt  }
0x58: {  	_ =	shalt  }
0x59: {  	_ =	shalt  }
0x5a: {  	_ =	shalt  }
0x5b: {  	_ =	shalt  }
0x5c: {  	_ =	shalt  }
0x5d: {  	_ =	shalt  }
0x5e: {  	_ =	shalt  }
0x5f: {  	_ =	shalt  }
0x60: {  	_ =	shalt  }
0x61: {  	_ =	shalt  }
0x62: {  	_ =	shalt  }
0x63: {  	_ =	shalt  }
0x64: {  	_ =	shalt  }
0x65: {  	_ =	shalt  }
0x66: {  	_ =	shalt  }
0x67: {  	_ =	shalt  }
0x68: {  	_ =	shalt  }
0x69: {  	_ =	shalt  }
0x6a: {  	_ =	shalt  }
0x6b: {  	_ =	shalt  }
0x6c: {  	_ =	shalt  }
0x6d: {  	_ =	shalt  }
0x6e: {  	_ =	shalt  }
0x6f: {  	_ =	shalt  }
0x70: {  	_ =	shalt  }
0x71: {  	_ =	shalt  }
0x72: {  	_ =	shalt  }
0x73: {  	_ =	shalt  }
0x74: {  	_ =	shalt  }
0x75: {  	_ =	shalt  }
0x76: {  	_ =	shalt  }
0x77: {  	_ =	shalt  }
0x78: {  	_ =	shalt  }
0x79: {  	_ =	shalt  }
0x7a: {  	_ =	shalt  }
0x7b: {  	_ =	shalt  }
0x7c: {  	_ =	shalt  }
0x7d: {  	_ =	shalt  }
0x7e: {  	_ =	shalt  }
0x7f: {  	_ =	shalt  }
0x80: {  	_ =	shalt  }
0x81: {  	_ =	shalt  }
0x82: {  	_ =	shalt  }
0x83: {  	_ =	shalt  }
0x84: {  	_ =	shalt  }
0x85: {  	_ =	shalt  }
0x86: {  	_ =	shalt  }
0x87: {  	_ =	shalt  }
.Lfunc_end0:
.L_simem_size_0:
called_computation.1_lowered:
.L_overlay_start_0:
0x88: {  	s2 =	sld [smem:$0x3FD9]  }
0x89: {  	s3 =	sld [smem:$0x3FFE];
	_ =	sdelay $0x1  }
0x8a: {  	s1 =	srdreg.scid  }
0x8b: {  	s0 =	sand.u32 $0x1, s1  }
0x8c: {  	s16 =	sshll.u32 s0, $0xA;
	s2 =	sadd.s32 s3, s2  }
0x8d: {  	s2 =	sadd.s32 s2, s16  }
0x8e: {  	[smem:$0x3FB9] =	sst s2  }
0x8f: {  	_ = 	snop  }
0x90: {  	(tm) =	ssettm $0x1  }
0x91: {  	s17 =	sld [smem:$0x3FFB];
	_ =	sdelay $0x3  }
0x92: {  	_ =	strace s17  }
0x93: {  	s2 =	sld [smem:$0x3FFC];
	_ =	sdelay $0x3  }
0x94: {  	_ =	strace s2  }
0x95: {  	s2 =	sld [smem:$0x3FFD];
	_ =	sdelay $0x3  }
0x96: {  	_ =	strace s2  }
0x97: {  	_ =	strace $0x8FFFFFFF  }
0x98: {  	s18 =	sld [smem:$0x3FDB];
	_ =	sdelay $0x1  }
0x99: {  	s19 =	simm.s32 $_scs_section_size  }
0x9a: {  	s4 =	simm.s32 $_size__tile_overlayer_lowered;
	s5 =	simm.s32 $_tile_overlayer_lowered  }
0x9b: {  	s22 =	simm.s32 $0x1BFF;
	s21 =	sshll.u32 s5, $0x1;
	s2 =	sadd.s32 s19, s18  }
0x9c: {  	s6 =	simm.s32 $0x0;
	s20 =	sshll.u32 s4, $0x1;
	s4 =	sadd.s32 s21, s2  }
0x9d: {  	[timem:s6], [sflag:s22] =	dma.local [hbm:s4], s20  }
0x9e: {  	_ =	swait.ge [sflag:s22], s20  }
0x9f: {  	s3 =	ssub.s32 $0x0, s20;
	[sflag:s22] =	ssyncset.done $0x0  }
0xa0: {  	[sflag:s22] =	ssyncadd.s32 s3;
	_ =	sdelay $0x1  }
0xa1: {  	s23 =	simm.s32 $0x1B8B  }
0xa2: {  	_ =	swait.ge [sflag:s23], $0x1  }
0xa3: {  	[sflag:s23] =	ssyncset.done $0x0  }
0xa4: {  	s25 =	simm.s32 $0x1B8E;
	s24 =	sld [smem:$0x3FFE];
	[sflag:s23] =	ssyncadd.s32 $0xFFFFFFFF  }
0xa5: {  	s26 =	simm.s32 $execute0_lowered;
	[smem:$0x3FD2] =	sst s25  }
0xa6: {  	s4 =	sshll.u32 s26, $0x1;
	_ =	strace $0x80000049;
	[dreg:$0x1] =	wrdreg $0xFFFFFFFF  }
0xa7: {  	s28 =	simm.s32 $_size_execute0_lowered;
	s2 =	sadd.s32 s2, s4;
	[dreg:$0x0] =	wrdreg $0x0  }
0xa8: {  	s4 =	sshll.u32 s28, $0x1;
	[dreg:$0x2] =	wrdreg s2  }
0xa9: {  	[dreg:$0x3] =	wrdreg s4  }
0xaa: {  	[dreg:$0x4] =	wrdreg $0xC0  }
0xab: {  	_ =	task [dreg:s6], $0x5FFFF  }
0xac: {  	[dreg:$0x1] =	wrdreg $0xFFFFFFFF  }
0xad: {  	[dreg:$0x0] =	wrdreg $0x60  }
0xae: {  	[dreg:$0x2] =	wrdreg s24  }
0xaf: {  	[dreg:$0x3] =	wrdreg $0xD0000  }
0xb0: {  	[dreg:$0x4] =	wrdreg $0x9  }
0xb1: {  	_ =	task.clear_ibuf [dreg:s6], $0x5FFFF;
	_ =	strace $0x90000049  }
0xb2: {  	s29 =	simm.s32 $0x9;
	_ =	strace $0x8000004B  }
0xb3: {  	_ =	swait.ge [sflag:s29], $0x1  }
0xb4: {  	[sflag:s29] =	ssyncadd.s32 $0xFFFFFFFF  }
0xb5: {  	_ =	strace $0x9000004B  }
0xb6: {  	_ =	sfence  }
0xb7: {  	s30 =	sld [smem:$0x0];
	_ =	sdelay $0x2  }
0xb8: {  	s31 =	sshll.u32 s1, $0xD;
	s1 =	sshrl.u32 s1, $0x2  }
0xb9: {  	s3 =	sand.u32 $0x4000, s31;
	s1 =	sadd.s32 s1, s30  }
0xba: {  	s0 =	sor.u32 s3, s0;
	s1 =	sshll.u32 s1, $0x11  }
0xbb: {  	s0 =	sor.u32 s1, s0  }
0xbc: {  	s0 =	sadd.s32 $0x8F2B, s0  }
0xbd: {  	[sflag:s0] =	ssyncadd.remote.s32 $0x1  }
0xbe: {  	_ =	sfence.sel $0xFFFF  }
0xbf: {  	[dreg:$0x0] =	wrdreg $0xFFFFFFFF;
	(pc) =	sbr.abs _section_cstart, $3  }
0xc0: {  	[dreg:$0x1] =	wrdreg $0xFFFFFFFF  }
0xc1: {  	_ =	task.clear_ibuf [dreg:s6], $0x2FFFF;
	_ =	strace $0x9FFFFFFF  }
0xc2: {  	(tm) =	ssettm $0x7FFFFFFF  }
0xc3: {  	_ =	shalt  }
tec
execute0_lowered:
.L_overlay_start_1:
0x0: {  	(tag) =	ssettag $0x1  }
0x1: {  	s0 =	srdreg.scid;
	s5 =	rddreg [dreg:$0x0]  }
0x2: {  	s12 =	stileid.u32;
	s2 =	rddreg [dreg:$0x1];
	s3 =	simm.s32 $0x0  }
0x3: {  	s13 =	simm.s32 $0x2800;
	s14 =	simm.s32 $0x80;
	s15 =	simm.s32 $0x5000  }
0x4: {  	s16 =	simm.s32 $0x7000;
	s18 =	simm.s32 $0x9000;
	s19 =	simm.s32 $0x1  }
0x5: {  	s21 =	simm.s32 $0xB000;
	s22 =	simm.s32 $0x2;
	s24 =	simm.s32 $0x5  }
0x6: {  	s29 =	simm.s32 $0x6;
	s31 =	simm.s32 $0x4;
	s20 =	simm.s32 $0x8  }
0x7: {  	s23 =	simm.s32 $0x0;
	s0 =	sand.u32 $0x1, s0;
	s6 =	smul.u32 $0x9E00, s12  }
0x8: {  	[smem:$0x7FF] =	sst s3;
	s7 =	smul.u32 $0x13C0, s12;
	s4 =	sadd.s32 $0x2800, s5  }
0x9: {  	s30 =	sshll.u32 s12, $0x6;
	s1 =	sshll.u32 s0, $0x4;
	_ =	strace $0x8000004A  }
0xa: {  	s8 =	smul.u32 $0x13C00, s0;
	s0 =	ssub.s32 $0x2, s0;
	s1 =	sor.u32 s12, s1  }
0xb: {  	s9 =	sshrl.u32 s6, $0x3;
	s26 =	sshrl.u32 s0, $0x1;
	s11 =	sadd.s32 s6, s2  }
0xc: {  	s6 =	sor.u32 $0x1C09, s30;
	s12 =	simm.s32 $0x9;
	s1 =	smul.u32 $0x500, s1  }
.Ltmp0:
0xd: {  	s7 =	sadd.s32 s7, s8;
	s9 =	sadd.s32 s9, s5;
	(pc) =	sbr.rel .LBB2_1-.Ltmp0, $4  }
0xe: {  	s0 =	ssub.s32 s0, s26;
	s11 =	sshrl.u32 s11, $0x3;
	s26 =	simm.s32 $0x3  }
0xf: {  	s10 =	sadd.s32 s7, s5;
	s28 =	sadd.s32 $0x16800, s9;
	s1 =	sadd.s32 s1, s5  }
0x10: {  	[dreg:$0x3] =	wrdreg s28;
	s9 =	sadd.s32 $0x3E800, s10;
	s10 =	smax.u32 s0, $0x1  }
0x11: {  	s0 =	simm.s32 $0x7;
	s7 =	sadd.s32 $0x2A800, s1;
	s8 =	sadd.s32 $0x34800, s1  }
.LBB2_4:
0x12: {  	_ =	swait.ge [sflag:s24], $0x2000  }
0x13: {  	[sflag:s24] =	ssyncset.done $0x0  }
0x14: {  	[sflag:s24] =	ssyncadd.s32 $0xFFFFE000  }
0x15: {  	_ =	swait.ge [sflag:s29], $0x2000  }
0x16: {  	[sflag:s29] =	ssyncset.done $0x0  }
0x17: {  	[sflag:s29] =	ssyncadd.s32 $0xFFFFE000  }
0x18: {  	_ =	swait.ge [sflag:s0], $0x2000  }
0x19: {  	[sflag:s0] =	ssyncset.done $0x0  }
0x1a: {  	[sflag:s0] =	ssyncadd.s32 $0xFFFFE000  }
0x1b: {  	_ =	swait.ge [sflag:s20], $0x2000  }
0x1c: {  	s23 =	sadd.s32 $0x1, s23;
	[sflag:s20] =	ssyncset.done $0x0  }
0x1d: {  	p0 =	sne.s32 s23, s10;
	[sflag:s20] =	ssyncadd.s32 $0xFFFFE000  }
.Ltmp1:
0x1e: {  	[bflag:$0x0] =	sbarrier.arrive $0xFFFF;
	(pc) =	sbr.rel @!p0 .LBB2_5-.Ltmp1, $4  }
0x1f: {  	[hbm:s9], [sflag:s6] =	dma.local [spmem:s11], $0x13C0  }
0x20: {  	_ =	swait.ge [sflag:s12], $0x13C0  }
0x21: {  	[sflag:s12] =	ssyncset.done $0x0  }
0x22: {  	[sflag:s12] =	ssyncadd.s32 $0xFFFFEC40  }
.LBB2_1:
0x23: {  	s1 =	rddreg [dreg:$0x3]  }
0x24: {  	[spmem:s11], [sflag:s6] =	dma.local [hbm:s1], $0x13C0  }
0x25: {  	_ =	swait.ge [sflag:s12], $0x13C0  }
0x26: {  	[sflag:s12] =	ssyncset.done $0x0  }
0x27: {  	[sflag:s12] =	ssyncadd.s32 $0xFFFFEC40  }
0x28: {  	[bflag:$0x0] =	sbarrier.arrive $0xFFFF  }
0x29: {  	[tilespmem:s3], [sflag:$0x9] =	stream.linear.gather [hbm4b:s7+s3], $0x2800, $0x38;
	[tilespmem:$0x16E00] =	vst v63  }
0x2a: {  	_ =	swait.ge [sflag:s12], $0x2800  }
0x2b: {  	[sflag:s12] =	ssyncset.done $0x0  }
0x2c: {  	[sflag:s12] =	ssyncadd.s32 $0xFFFFD800  }
0x2d: {  	[tilespmem:s13], [sflag:$0x9] =	stream.linear.gather [hbm4b:s8+s3], $0x2800, $0x38;
	[tilespmem:$0x16E00] =	vst v63  }
0x2e: {  	_ =	swait.ge [sflag:s12], $0x2800  }
0x2f: {  	[sflag:s12] =	ssyncset.done $0x0  }
0x30: {  	[sflag:s12] =	ssyncadd.s32 $0xFFFFD800  }
0x31: {  	[tilespmem:s15], [sflag:$0x1] =	stream.indirect.gather [hbm4b:s4+s14], $0x40, s3, s14, $0xb8;
	[tilespmem:$0x16E00] =	vst v63  }
0x32: {  	_ = 	snop  }
0x33: {  	[tilespmem:s16], [sflag:$0x2] =	stream.indirect.gather [hbm4b:s4+s14], $0x40, s14, s14, $0xb8;
	[tilespmem:$0x16E00] =	vst v63  }
0x34: {  	s25 =	simm.s32 $0x100  }
0x35: {  	[tilespmem:s18], [sflag:$0x3] =	stream.indirect.gather [hbm4b:s4+s14], $0x40, s25, s14, $0xb8;
	[tilespmem:$0x16E00] =	vst v63  }
0x36: {  	_ =	swait.ge [sflag:s19], $0x2000  }
0x37: {  	[sflag:s19] =	ssyncset.done $0x0  }
0x38: {  	[sflag:s19] =	ssyncadd.s32 $0xFFFFE000  }
0x39: {  	[spmem:s2] =	stream.indirect.scatter.add.f32 [tilespmem:s15], [sflag:$0x5], $0x40, s13, s14, $0xb8;
	[tilespmem:$0x16E00] =	vst v63  }
0x3a: {  	s28 =	simm.s32 $0x180  }
0x3b: {  	[tilespmem:s21], [sflag:$0x4] =	stream.indirect.gather [hbm4b:s4+s14], $0x40, s28, s14, $0xb8;
	[tilespmem:$0x16E00] =	vst v63  }
0x3c: {  	_ =	swait.ge [sflag:s22], $0x2000  }
0x3d: {  	[sflag:s22] =	ssyncset.done $0x0  }
0x3e: {  	s30 =	simm.s32 $0x2880;
	[sflag:s22] =	ssyncadd.s32 $0xFFFFE000  }
0x3f: {  	[spmem:s2] =	stream.indirect.scatter.add.f32 [tilespmem:s16], [sflag:$0x6], $0x40, s30, s14, $0xb8;
	[tilespmem:$0x16E00] =	vst v63  }
0x40: {  	_ =	swait.ge [sflag:s24], $0x2000  }
0x41: {  	[sflag:s24] =	ssyncset.done $0x0  }
0x42: {  	s5 =	simm.s32 $0x200;
	[sflag:s24] =	ssyncadd.s32 $0xFFFFE000  }
0x43: {  	[tilespmem:s15], [sflag:$0x1] =	stream.indirect.gather [hbm4b:s4+s14], $0x40, s5, s14, $0xb8;
	[tilespmem:$0x16E00] =	vst v63  }
0x44: {  	_ =	swait.ge [sflag:s26], $0x2000  }
0x45: {  	[sflag:s26] =	ssyncset.done $0x0  }
0x46: {  	s17 =	simm.s32 $0x2900;
	[sflag:s26] =	ssyncadd.s32 $0xFFFFE000  }
0x47: {  	[spmem:s2] =	stream.indirect.scatter.add.f32 [tilespmem:s18], [sflag:$0x7], $0x40, s17, s14, $0xb8;
	[tilespmem:$0x16E00] =	vst v63  }
0x48: {  	_ =	swait.ge [sflag:s29], $0x2000  }
0x49: {  	[sflag:s29] =	ssyncset.done $0x0  }
0x4a: {  	s25 =	simm.s32 $0x280;
	[sflag:s29] =	ssyncadd.s32 $0xFFFFE000  }
0x4b: {  	[tilespmem:s16], [sflag:$0x2] =	stream.indirect.gather [hbm4b:s4+s14], $0x40, s25, s14, $0xb8;
	[tilespmem:$0x16E00] =	vst v63  }
0x4c: {  	_ =	swait.ge [sflag:s31], $0x2000  }
0x4d: {  	[sflag:s31] =	ssyncset.done $0x0  }
0x4e: {  	s28 =	simm.s32 $0x2980;
	[sflag:s31] =	ssyncadd.s32 $0xFFFFE000  }
0x4f: {  	[spmem:s2] =	stream.indirect.scatter.add.f32 [tilespmem:s21], [sflag:$0x8], $0x40, s28, s14, $0xb8;
	[tilespmem:$0x16E00] =	vst v63  }
0x50: {  	_ =	swait.ge [sflag:s0], $0x2000  }
0x51: {  	[sflag:s0] =	ssyncset.done $0x0  }
0x52: {  	s30 =	simm.s32 $0x300;
	s25 =	simm.s32 $0x0;
	[sflag:s0] =	ssyncadd.s32 $0xFFFFE000  }
0x53: {  	[tilespmem:s18], [sflag:$0x3] =	stream.indirect.gather [hbm4b:s4+s14], $0x40, s30, s14, $0xb8;
	[tilespmem:$0x16E00] =	vst v63  }
.LBB2_2:
0x54: {  	_ =	swait.ge [sflag:s19], $0x2000  }
0x55: {  	s28 =	sshra.s32 s25, $0x2;
	[sflag:s19] =	ssyncset.done $0x0  }
0x56: {  	s30 =	sadd.s32 $0x2A00, s28;
	[sflag:s19] =	ssyncadd.s32 $0xFFFFE000  }
0x57: {  	[spmem:s2] =	stream.indirect.scatter.add.f32 [tilespmem:s15], [sflag:$0x5], $0x40, s30, s14, $0xb8;
	[tilespmem:$0x16E00] =	vst v63  }
0x58: {  	_ =	swait.ge [sflag:s20], $0x2000  }
0x59: {  	[sflag:s20] =	ssyncset.done $0x0  }
0x5a: {  	s5 =	sadd.s32 $0x380, s28;
	[sflag:s20] =	ssyncadd.s32 $0xFFFFE000  }
0x5b: {  	[tilespmem:s21], [sflag:$0x4] =	stream.indirect.gather [hbm4b:s4+s14], $0x40, s5, s14, $0xb8;
	[tilespmem:$0x16E00] =	vst v63  }
0x5c: {  	_ =	swait.ge [sflag:s22], $0x2000  }
0x5d: {  	p0 =	seq.s32 s25, $0x9000;
	[sflag:s22] =	ssyncset.done $0x0  }
0x5e: {  	s17 =	sadd.s32 $0x2A80, s28;
	s30 =	simm.s32 @p0 $0x3;
	[sflag:s22] =	ssyncadd.s32 $0xFFFFE000  }
0x5f: {  	[spmem:s2] =	stream.indirect.scatter.add.f32 [tilespmem:s16], [sflag:$0x6], $0x40, s17, s14, $0xb8;
	[tilespmem:$0x16E00] =	vst v63  }
0x60: {  	_ =	swait.ge @p0 [sflag:s30], $0x2000  }
0x61: {  	[sflag:s30] =	ssyncset.done @p0 $0x0  }
0x62: {  	[sflag:s30] =	ssyncadd.s32 @p0 $0xFFFFE000;
	s30 =	sshra.s32 @p0 s25, $0x2  }
0x63: {  	s1 =	simm.s32 @p0 $0x80;
	s17 =	simm.s32 @p0 $0x9000;
	s30 =	sadd.s32 @p0 $0x2B00, s30  }
0x64: {  	[spmem:s2] =	stream.indirect.scatter.add.f32 @p0 [tilespmem:s17], [sflag:$0x7], $0x40, s30, s1, $0xb8;
	[tilespmem:$0x16E00] =	vst v63  }
0x65: {  	s1 =	simm.s32 @!p0 $0x5  }
0x66: {  	_ =	swait.ge @!p0 [sflag:s1], $0x2000  }
0x67: {  	[sflag:s1] =	ssyncset.done @!p0 $0x0  }
0x68: {  	[sflag:s1] =	ssyncadd.s32 @!p0 $0xFFFFE000;
	s1 =	sshra.s32 @!p0 s25, $0x2  }
0x69: {  	s5 =	simm.s32 @!p0 $0x5000;
	s30 =	simm.s32 @!p0 $0x80;
	s17 =	sadd.s32 @!p0 $0x400, s1  }
0x6a: {  	[tilespmem:s5], [sflag:$0x1] =	stream.indirect.gather @!p0 [hbm4b:s4+s30], $0x40, s17, s30, $0xb8;
	[tilespmem:$0x16E00] =	vst v63  }
0x6b: {  	s5 =	simm.s32 @!p0 $0x3  }
0x6c: {  	_ =	swait.ge @!p0 [sflag:s5], $0x2000  }
0x6d: {  	[sflag:s5] =	ssyncset.done @!p0 $0x0  }
0x6e: {  	s17 =	simm.s32 @!p0 $0x9000;
	[sflag:s5] =	ssyncadd.s32 @!p0 $0xFFFFE000;
	s5 =	sadd.s32 @!p0 $0x2B00, s1  }
0x6f: {  	[spmem:s2] =	stream.indirect.scatter.add.f32 @!p0 [tilespmem:s17], [sflag:$0x7], $0x40, s5, s30, $0xb8;
	[tilespmem:$0x16E00] =	vst v63  }
0x70: {  	s5 =	simm.s32 @!p0 $0x6  }
0x71: {  	_ =	swait.ge @!p0 [sflag:s5], $0x2000  }
0x72: {  	[sflag:s5] =	ssyncset.done @!p0 $0x0  }
0x73: {  	s1 =	sadd.s32 @!p0 $0x480, s1;
	[sflag:s5] =	ssyncadd.s32 @!p0 $0xFFFFE000;
	s5 =	simm.s32 @!p0 $0x7000  }
0x74: {  	[tilespmem:s5], [sflag:$0x2] =	stream.indirect.gather @!p0 [hbm4b:s4+s30], $0x40, s1, s30, $0xb8;
	[tilespmem:$0x16E00] =	vst v63  }
.Ltmp2:
0x75: {  	_ = 	snop;
	(pc) =	sbr.rel @p0 .LBB2_4-.Ltmp2, $4  }
0x76: {  	_ =	swait.ge [sflag:s31], $0x2000  }
0x77: {  	[sflag:s31] =	ssyncset.done $0x0  }
0x78: {  	s30 =	sadd.s32 $0x2B80, s28;
	[sflag:s31] =	ssyncadd.s32 $0xFFFFE000  }
0x79: {  	[spmem:s2] =	stream.indirect.scatter.add.f32 [tilespmem:s21], [sflag:$0x8], $0x40, s30, s14, $0xb8;
	[tilespmem:$0x16E00] =	vst v63  }
.Ltmp3:
0x7a: {  	(pc) =	sbr.rel .LBB2_2-.Ltmp3, $4  }
0x7b: {  	_ =	swait.ge [sflag:s0], $0x2000  }
0x7c: {  	[sflag:s0] =	ssyncset.done $0x0  }
0x7d: {  	s1 =	sadd.s32 $0x500, s28;
	s25 =	sadd.s32 $0x800, s25;
	[sflag:s0] =	ssyncadd.s32 $0xFFFFE000  }
0x7e: {  	[tilespmem:s18], [sflag:$0x3] =	stream.indirect.gather [hbm4b:s4+s14], $0x40, s1, s14, $0xb8;
	[tilespmem:$0x16E00] =	vst v63  }
.LBB2_5:
0x7f: {  	_ =	sfence.sel $0x180000  }
0x80: {  	[bflag:$0x0] =	sbarrier.arrive $0xFFFF  }
0x81: {  	_ =	strace $0x9000004A  }
0x82: {  	s0 =	stileid.u32;
	[bflag:$0x2] =	sbarrier.arrive $0xFFFF  }
0x83: {  	p0 =	sne.s32 s0, $0x0;
	s0 =	rddreg [dreg:$0x2]  }
0x84: {  	s0 =	sadd.s32 @!p0 $0x100000, s0  }
0x85: {  	[sflag:s0] =	ssyncadd.tile.s32 @!p0 $0x1;
	_ =	shalt  }
.Lfunc_end2:
_tile_overlayer_lowered:
.L_overlay_start_2:
0x86: {  	(tag) =	ssettag $0x2  }
0x87: {  	s0 =	rddreg [dreg:$0x0];
	s2 =	stileid.u32  }
0x88: {  	s1 =	rddreg [dreg:$0x1];
	p0 =	sne.s32 s2, $0x0  }
0x89: {  	s3 =	rddreg [dreg:$0x2];
	[bflag:$0x3] =	sbarrier.arrive $0xFFFF;
	s2 =	simm.s32 @!p0 $0x1C09  }
0x8a: {  	[timem:s3], [sflag:s2] =	dma.local @!p0 [hbm:s0], s1  }
0x8b: {  	s0 =	simm.s32 @!p0 $0x9  }
0x8c: {  	_ =	swait.ge @!p0 [sflag:s0], s1  }
0x8d: {  	s1 =	ssub.s32 @!p0 $0x0, s1;
	[sflag:s0] =	ssyncset.done @!p0 $0x0  }
0x8e: {  	[sflag:s0] =	ssyncadd.s32 @!p0 s1  }
0x8f: {  	[bflag:$0x3] =	sbarrier.arrive $0xFFFF  }
0x90: {  	_ =	shalt  }

// kernel: kernel.15.cloned.1.call-start
scs
__scs_entry_jumppad:
0x0: {  	(pc) =	sbr.rel $0x88, $3  }
0x1: {  	(tag) =	ssettag $0x0;
	lr =	simm.s32 $0x1  }
0x2: {  	[smem:$0x3F92] =	sst lr;
	_ =	strace $0xD0000000  }
0x3: {  	_ = 	snop  }
0x4: {  	_ = 	snop  }
0x5: {  	_ = 	snop  }
0x6: {  	_ = 	snop  }
0x7: {  	_ = 	snop  }
__scs_overlays_trampoline_lowered:
0x8: {  	[smem:$0x3FA1] =	sst s0  }
0x9: {  	[smem:$0x3FA2] =	sst s1  }
0xa: {  	[smem:$0x3FA3] =	sst s2  }
0xb: {  	[smem:$0x3FA4] =	sst s3  }
0xc: {  	[smem:$0x3FA5] =	sst s4  }
0xd: {  	[smem:$0x3FA6] =	sst s5  }
0xe: {  	[smem:$0x3FA7] =	sst s6  }
0xf: {  	[smem:$0x3FA8] =	sst s7  }
0x10: {  	[smem:$0x3FA9] =	sst s8  }
0x11: {  	[smem:$0x3FAA] =	sst s9;
	s0 =	simm.s32 @!p0 $0x0  }
0x12: {  	s1 =	sld [smem:$0x3F90];
	s0 =	simm.s32 @p0 $0x1  }
0x13: {  	[smem:$0x3FAB] =	sst s0;
	s0 =	simm.s32 @!p1 $0x0  }
0x14: {  	s2 =	sld [smem:$0x3F8F];
	s0 =	simm.s32 @p1 $0x1  }
0x15: {  	[smem:$0x3FAC] =	sst s0;
	s0 =	simm.s32 @!p2 $0x0  }
0x16: {  	s3 =	sld [smem:$0x3FDB];
	s0 =	simm.s32 @p2 $0x1  }
0x17: {  	s4 =	simm.s32 $0x1BF5;
	[smem:$0x3FAE] =	sst s0  }
0x18: {  	s0 =	sld [smem:$0x3F91];
	_ =	swait.ge [sflag:s4], $0x0  }
0x19: {  	s7 =	sld [smem:$0x3F92]  }
0x1a: {  	s8 =	sadd.s32 $0xFFFFE003, lr  }
0x1b: {  	s9 =	sadd.s32 $0xFFFFFEF7, lr;
	s5 =	simm.s32 $0xFFFFFFFF;
	p2 =	slt.u32 s8, $0xFFFFF086  }
0x1c: {  	p1 =	slt.u32 s9, $0xF7A;
	s5 =	simm.s32 @!p2 $0x0  }
0x1d: {  	s5 =	simm.s32 @p1 $0x1;
	p0 =	seq.s32 s7, s2  }
0x1e: {  	s7 =	smul.u32 @!p0 $0xF7A, s2;
	p2 =	seq.s32 @!p0 s5, $0x0  }
0x1f: {  	s9 =	smul.u32 $0xF7A, s1;
	s8 =	simm.s32 @!p0 $0x1BF5;
	p2 =	por !p2, p0  }
0x20: {  	[sflag:s8] =	ssyncset.s32 @!p0 $0xFFFFF086;
	s6 =	sadd.s32 @!p0 s3, s7;
	s7 =	simm.s32 @!p0 $0x108  }
0x21: {  	s3 =	sadd.s32 s3, s9;
	s6 =	sadd.s32 @!p0 $0x88, s6;
	s7 =	simm.s32 @p2 $0x1082  }
0x22: {  	[simem:s7], [sflag:s8] =	dma.local @!p0 [hbm:s6], $0xF7A  }
0x23: {  	s9 =	sor.u32 $0xD0000000, s2;
	s6 =	simm.s32 $0x108;
	_ =	swait.ge @!p0 [sflag:s8], $0x0  }
0x24: {  	s3 =	sadd.s32 $0x88, s3;
	s6 =	simm.s32 @!p1 $0x1082;
	[sflag:s4] =	ssyncset.s32 $0xFFFFF086  }
0x25: {  	[simem:s6], [sflag:s4] =	dma.local [hbm:s3], $0xF7A  }
0x26: {  	[smem:$0x3F92] =	sst s1;
	(tag) =	ssettag s2;
	_ =	strace s9  }
0x27: {  	s1 =	sld [smem:$0x3FA2]  }
0x28: {  	s2 =	sld [smem:$0x3FA3]  }
0x29: {  	s4 =	sld [smem:$0x3FA5]  }
0x2a: {  	p0 =	seq.s32 s5, $0x0;
	s5 =	sld [smem:$0x3FA6]  }
0x2b: {  	s6 =	sld [smem:$0x3FA7]  }
0x2c: {  	s7 =	sld [smem:$0x3FA8]  }
0x2d: {  	s3 =	simm.s32 $0x108;
	s8 =	sld [smem:$0x3FA9]  }
0x2e: {  	s3 =	simm.s32 @!p0 $0x1082;
	s9 =	sld [smem:$0x3FAA]  }
0x2f: {  	lr =	sadd.s32 s0, s3;
	s0 =	sld [smem:$0x3FA1]  }
0x30: {  	s3 =	sld [smem:$0x3FA4]  }
0x31: {  	[smem:$0x3FAD] =	sst s10  }
0x32: {  	s10 =	sld [smem:$0x3FAB];
	_ =	sdelay $0x3  }
0x33: {  	p0 =	seq.s32 s10, $0x1;
	s10 =	sld [smem:$0x3FAD];
	_ =	sdelay $0x3  }
0x34: {  	[smem:$0x3FAD] =	sst s10  }
0x35: {  	s10 =	sld [smem:$0x3FAC];
	_ =	sdelay $0x3  }
0x36: {  	p1 =	seq.s32 s10, $0x1;
	s10 =	sld [smem:$0x3FAD];
	_ =	sdelay $0x3  }
0x37: {  	[smem:$0x3FAD] =	sst s10  }
0x38: {  	s10 =	sld [smem:$0x3FAE]  }
0x39: {  	_ = 	snop;
	(pc) =	sbr.ind lr, $3  }
0x3a: {  	_ = 	snop  }
0x3b: {  	_ = 	snop  }
0x3c: {  	p2 =	seq.s32 s10, $0x1;
	s10 =	sld [smem:$0x3FAD]  }
0x3d: {  	_ =	shalt  }
0x3e: {  	_ =	shalt  }
0x3f: {  	_ =	shalt  }
0x40: {  	_ =	shalt  }
0x41: {  	_ =	shalt  }
0x42: {  	_ =	shalt  }
0x43: {  	_ =	shalt  }
0x44: {  	_ =	shalt  }
0x45: {  	_ =	shalt  }
0x46: {  	_ =	shalt  }
0x47: {  	_ =	shalt  }
0x48: {  	_ =	shalt  }
0x49: {  	_ =	shalt  }
0x4a: {  	_ =	shalt  }
0x4b: {  	_ =	shalt  }
0x4c: {  	_ =	shalt  }
0x4d: {  	_ =	shalt  }
0x4e: {  	_ =	shalt  }
0x4f: {  	_ =	shalt  }
0x50: {  	_ =	shalt  }
0x51: {  	_ =	shalt  }
0x52: {  	_ =	shalt  }
0x53: {  	_ =	shalt  }
0x54: {  	_ =	shalt  }
0x55: {  	_ =	shalt  }
0x56: {  	_ =	shalt  }
0x57: {  	_ =	shalt  }
0x58: {  	_ =	shalt  }
0x59: {  	_ =	shalt  }
0x5a: {  	_ =	shalt  }
0x5b: {  	_ =	shalt  }
0x5c: {  	_ =	shalt  }
0x5d: {  	_ =	shalt  }
0x5e: {  	_ =	shalt  }
0x5f: {  	_ =	shalt  }
0x60: {  	_ =	shalt  }
0x61: {  	_ =	shalt  }
0x62: {  	_ =	shalt  }
0x63: {  	_ =	shalt  }
0x64: {  	_ =	shalt  }
0x65: {  	_ =	shalt  }
0x66: {  	_ =	shalt  }
0x67: {  	_ =	shalt  }
0x68: {  	_ =	shalt  }
0x69: {  	_ =	shalt  }
0x6a: {  	_ =	shalt  }
0x6b: {  	_ =	shalt  }
0x6c: {  	_ =	shalt  }
0x6d: {  	_ =	shalt  }
0x6e: {  	_ =	shalt  }
0x6f: {  	_ =	shalt  }
0x70: {  	_ =	shalt  }
0x71: {  	_ =	shalt  }
0x72: {  	_ =	shalt  }
0x73: {  	_ =	shalt  }
0x74: {  	_ =	shalt  }
0x75: {  	_ =	shalt  }
0x76: {  	_ =	shalt  }
0x77: {  	_ =	shalt  }
0x78: {  	_ =	shalt  }
0x79: {  	_ =	shalt  }
0x7a: {  	_ =	shalt  }
0x7b: {  	_ =	shalt  }
0x7c: {  	_ =	shalt  }
0x7d: {  	_ =	shalt  }
0x7e: {  	_ =	shalt  }
0x7f: {  	_ =	shalt  }
0x80: {  	_ =	shalt  }
0x81: {  	_ =	shalt  }
0x82: {  	_ =	shalt  }
0x83: {  	_ =	shalt  }
0x84: {  	_ =	shalt  }
0x85: {  	_ =	shalt  }
0x86: {  	_ =	shalt  }
0x87: {  	_ =	shalt  }
.Lfunc_end0:
.L_simem_size_0:
called_computation.2_lowered:
.L_overlay_start_0:
0x88: {  	s2 =	sld [smem:$0x3FD9]  }
0x89: {  	s3 =	sld [smem:$0x3FFE];
	_ =	sdelay $0x1  }
0x8a: {  	s1 =	srdreg.scid  }
0x8b: {  	s0 =	sand.u32 $0x1, s1  }
0x8c: {  	s16 =	sshll.u32 s0, $0xA;
	s2 =	sadd.s32 s3, s2  }
0x8d: {  	s2 =	sadd.s32 s2, s16  }
0x8e: {  	[smem:$0x3FB9] =	sst s2  }
0x8f: {  	_ = 	snop  }
0x90: {  	(tm) =	ssettm $0x1  }
0x91: {  	s17 =	sld [smem:$0x3FFB];
	_ =	sdelay $0x3  }
0x92: {  	_ =	strace s17  }
0x93: {  	s2 =	sld [smem:$0x3FFC];
	_ =	sdelay $0x3  }
0x94: {  	_ =	strace s2  }
0x95: {  	s2 =	sld [smem:$0x3FFD];
	_ =	sdelay $0x3  }
0x96: {  	_ =	strace s2  }
0x97: {  	_ =	strace $0x8FFFFFFF  }
0x98: {  	s18 =	sld [smem:$0x3FDB];
	_ =	sdelay $0x1  }
0x99: {  	s19 =	simm.s32 $_scs_section_size  }
0x9a: {  	s4 =	simm.s32 $_size__tile_overlayer_lowered;
	s5 =	simm.s32 $_tile_overlayer_lowered  }
0x9b: {  	s22 =	simm.s32 $0x1BFF;
	s21 =	sshll.u32 s5, $0x1;
	s2 =	sadd.s32 s19, s18  }
0x9c: {  	s6 =	simm.s32 $0x0;
	s20 =	sshll.u32 s4, $0x1;
	s4 =	sadd.s32 s21, s2  }
0x9d: {  	[timem:s6], [sflag:s22] =	dma.local [hbm:s4], s20  }
0x9e: {  	_ =	swait.ge [sflag:s22], s20  }
0x9f: {  	s3 =	ssub.s32 $0x0, s20;
	[sflag:s22] =	ssyncset.done $0x0  }
0xa0: {  	[sflag:s22] =	ssyncadd.s32 s3;
	_ =	sdelay $0x1  }
0xa1: {  	s23 =	simm.s32 $0x1B8B  }
0xa2: {  	_ =	swait.ge [sflag:s23], $0x1  }
0xa3: {  	[sflag:s23] =	ssyncset.done $0x0  }
0xa4: {  	s25 =	simm.s32 $0x1B8E;
	s24 =	sld [smem:$0x3FFE];
	[sflag:s23] =	ssyncadd.s32 $0xFFFFFFFF  }
0xa5: {  	s26 =	simm.s32 $execute0_lowered;
	[smem:$0x3FD2] =	sst s25  }
0xa6: {  	s4 =	sshll.u32 s26, $0x1;
	_ =	strace $0x8000004C;
	[dreg:$0x1] =	wrdreg $0xFFFFFFFF  }
0xa7: {  	s28 =	simm.s32 $_size_execute0_lowered;
	s2 =	sadd.s32 s2, s4;
	[dreg:$0x0] =	wrdreg $0x0  }
0xa8: {  	s4 =	sshll.u32 s28, $0x1;
	[dreg:$0x2] =	wrdreg s2  }
0xa9: {  	[dreg:$0x3] =	wrdreg s4  }
0xaa: {  	[dreg:$0x4] =	wrdreg $0xC0  }
0xab: {  	_ =	task [dreg:s6], $0x5FFFF  }
0xac: {  	[dreg:$0x1] =	wrdreg $0xFFFFFFFF  }
0xad: {  	[dreg:$0x0] =	wrdreg $0x60  }
0xae: {  	[dreg:$0x2] =	wrdreg s24  }
0xaf: {  	[dreg:$0x3] =	wrdreg $0x70000  }
0xb0: {  	[dreg:$0x4] =	wrdreg $0x9  }
0xb1: {  	_ =	task.clear_ibuf [dreg:s6], $0x5FFFF;
	_ =	strace $0x9000004C  }
0xb2: {  	s29 =	simm.s32 $0x9;
	_ =	strace $0x8000004E  }
0xb3: {  	_ =	swait.ge [sflag:s29], $0x1  }
0xb4: {  	[sflag:s29] =	ssyncadd.s32 $0xFFFFFFFF  }
0xb5: {  	_ =	strace $0x9000004E  }
0xb6: {  	_ =	sfence  }
0xb7: {  	s30 =	sld [smem:$0x0];
	_ =	sdelay $0x2  }
0xb8: {  	s31 =	sshll.u32 s1, $0xD;
	s1 =	sshrl.u32 s1, $0x2  }
0xb9: {  	s3 =	sand.u32 $0x4000, s31;
	s1 =	sadd.s32 s1, s30  }
0xba: {  	s0 =	sor.u32 s3, s0;
	s1 =	sshll.u32 s1, $0x11  }
0xbb: {  	s0 =	sor.u32 s1, s0  }
0xbc: {  	s0 =	sadd.s32 $0x8F2B, s0  }
0xbd: {  	[sflag:s0] =	ssyncadd.remote.s32 $0x1  }
0xbe: {  	_ =	sfence.sel $0xFFFF  }
0xbf: {  	[dreg:$0x0] =	wrdreg $0xFFFFFFFF;
	(pc) =	sbr.abs _section_cstart, $3  }
0xc0: {  	[dreg:$0x1] =	wrdreg $0xFFFFFFFF  }
0xc1: {  	_ =	task.clear_ibuf [dreg:s6], $0x2FFFF;
	_ =	strace $0x9FFFFFFF  }
0xc2: {  	(tm) =	ssettm $0x7FFFFFFF  }
0xc3: {  	_ =	shalt  }
tec
execute0_lowered:
.L_overlay_start_1:
0x0: {  	(tag) =	ssettag $0x1  }
0x1: {  	s0 =	srdreg.scid;
	s5 =	rddreg [dreg:$0x0]  }
0x2: {  	s12 =	stileid.u32;
	s2 =	rddreg [dreg:$0x1];
	s3 =	simm.s32 $0x0  }
0x3: {  	s13 =	simm.s32 $0x2800;
	s14 =	simm.s32 $0x80;
	s15 =	simm.s32 $0x5000  }
0x4: {  	s16 =	simm.s32 $0x5800;
	s18 =	simm.s32 $0x6000;
	s19 =	simm.s32 $0x1  }
0x5: {  	s21 =	simm.s32 $0x6800;
	s22 =	simm.s32 $0x2;
	s24 =	simm.s32 $0x5  }
0x6: {  	s29 =	simm.s32 $0x6;
	s31 =	simm.s32 $0x4;
	s20 =	simm.s32 $0x8  }
0x7: {  	s23 =	simm.s32 $0x0;
	s0 =	sand.u32 $0x1, s0;
	s6 =	smul.u32 $0x2780, s12  }
0x8: {  	[smem:$0x7FF] =	sst s3;
	s7 =	smul.u32 $0x4F0, s12;
	s4 =	sadd.s32 $0x2800, s5  }
0x9: {  	s30 =	sshll.u32 s12, $0x6;
	s1 =	sshll.u32 s0, $0x4;
	_ =	strace $0x8000004D  }
0xa: {  	s8 =	smul.u32 $0x4F00, s0;
	s0 =	ssub.s32 $0x2, s0;
	s1 =	sor.u32 s12, s1  }
0xb: {  	s9 =	sshrl.u32 s6, $0x3;
	s26 =	sshrl.u32 s0, $0x1;
	s11 =	sadd.s32 s6, s2  }
0xc: {  	s6 =	sor.u32 $0x1C09, s30;
	s12 =	simm.s32 $0x9;
	s1 =	smul.u32 $0x500, s1  }
.Ltmp0:
0xd: {  	s7 =	sadd.s32 s7, s8;
	s9 =	sadd.s32 s9, s5;
	(pc) =	sbr.rel .LBB2_1-.Ltmp0, $4  }
0xe: {  	s0 =	ssub.s32 s0, s26;
	s11 =	sshrl.u32 s11, $0x3;
	s26 =	simm.s32 $0x3  }
0xf: {  	s10 =	sadd.s32 s7, s5;
	s28 =	sadd.s32 $0x7800, s9;
	s1 =	sadd.s32 s1, s5  }
0x10: {  	[dreg:$0x3] =	wrdreg s28;
	s9 =	sadd.s32 $0xC800, s10;
	s10 =	smax.u32 s0, $0x1  }
0x11: {  	s0 =	simm.s32 $0x7;
	s7 =	sadd.s32 $0x2A800, s1;
	s8 =	sadd.s32 $0x34800, s1  }
.LBB2_4:
0x12: {  	_ =	swait.ge [sflag:s24], $0x800  }
0x13: {  	[sflag:s24] =	ssyncset.done $0x0  }
0x14: {  	[sflag:s24] =	ssyncadd.s32 $0xFFFFF800  }
0x15: {  	_ =	swait.ge [sflag:s29], $0x800  }
0x16: {  	[sflag:s29] =	ssyncset.done $0x0  }
0x17: {  	[sflag:s29] =	ssyncadd.s32 $0xFFFFF800  }
0x18: {  	_ =	swait.ge [sflag:s0], $0x800  }
0x19: {  	[sflag:s0] =	ssyncset.done $0x0  }
0x1a: {  	[sflag:s0] =	ssyncadd.s32 $0xFFFFF800  }
0x1b: {  	_ =	swait.ge [sflag:s20], $0x800  }
0x1c: {  	s23 =	sadd.s32 $0x1, s23;
	[sflag:s20] =	ssyncset.done $0x0  }
0x1d: {  	p0 =	sne.s32 s23, s10;
	[sflag:s20] =	ssyncadd.s32 $0xFFFFF800  }
.Ltmp1:
0x1e: {  	[bflag:$0x0] =	sbarrier.arrive $0xFFFF;
	(pc) =	sbr.rel @!p0 .LBB2_5-.Ltmp1, $4  }
0x1f: {  	[hbm:s9], [sflag:s6] =	dma.local [spmem:s11], $0x4F0  }
0x20: {  	_ =	swait.ge [sflag:s12], $0x4F0  }
0x21: {  	[sflag:s12] =	ssyncset.done $0x0  }
0x22: {  	[sflag:s12] =	ssyncadd.s32 $0xFFFFFB10  }
.LBB2_1:
0x23: {  	s1 =	rddreg [dreg:$0x3]  }
0x24: {  	[spmem:s11], [sflag:s6] =	dma.local [hbm:s1], $0x4F0  }
0x25: {  	_ =	swait.ge [sflag:s12], $0x4F0  }
0x26: {  	[sflag:s12] =	ssyncset.done $0x0  }
0x27: {  	[sflag:s12] =	ssyncadd.s32 $0xFFFFFB10  }
0x28: {  	[bflag:$0x0] =	sbarrier.arrive $0xFFFF  }
0x29: {  	[tilespmem:s3], [sflag:$0x9] =	stream.linear.gather [hbm4b:s7+s3], $0x2800, $0x38;
	[tilespmem:$0x9780] =	vst v63  }
0x2a: {  	_ =	swait.ge [sflag:s12], $0x2800  }
0x2b: {  	[sflag:s12] =	ssyncset.done $0x0  }
0x2c: {  	[sflag:s12] =	ssyncadd.s32 $0xFFFFD800  }
0x2d: {  	[tilespmem:s13], [sflag:$0x9] =	stream.linear.gather [hbm4b:s8+s3], $0x2800, $0x38;
	[tilespmem:$0x9780] =	vst v63  }
0x2e: {  	_ =	swait.ge [sflag:s12], $0x2800  }
0x2f: {  	[sflag:s12] =	ssyncset.done $0x0  }
0x30: {  	[sflag:s12] =	ssyncadd.s32 $0xFFFFD800  }
0x31: {  	[tilespmem:s15], [sflag:$0x1] =	stream.indirect.gather [hbm4b:s4+s14], $0x10, s3, s14, $0xb8;
	[tilespmem:$0x9780] =	vst v63  }
0x32: {  	_ = 	snop  }
0x33: {  	[tilespmem:s16], [sflag:$0x2] =	stream.indirect.gather [hbm4b:s4+s14], $0x10, s14, s14, $0xb8;
	[tilespmem:$0x9780] =	vst v63  }
0x34: {  	s25 =	simm.s32 $0x100  }
0x35: {  	[tilespmem:s18], [sflag:$0x3] =	stream.indirect.gather [hbm4b:s4+s14], $0x10, s25, s14, $0xb8;
	[tilespmem:$0x9780] =	vst v63  }
0x36: {  	_ =	swait.ge [sflag:s19], $0x800  }
0x37: {  	[sflag:s19] =	ssyncset.done $0x0  }
0x38: {  	[sflag:s19] =	ssyncadd.s32 $0xFFFFF800  }
0x39: {  	[spmem:s2] =	stream.indirect.scatter.add.f32 [tilespmem:s15], [sflag:$0x5], $0x10, s13, s14, $0xb8;
	[tilespmem:$0x9780] =	vst v63  }
0x3a: {  	s28 =	simm.s32 $0x180  }
0x3b: {  	[tilespmem:s21], [sflag:$0x4] =	stream.indirect.gather [hbm4b:s4+s14], $0x10, s28, s14, $0xb8;
	[tilespmem:$0x9780] =	vst v63  }
0x3c: {  	_ =	swait.ge [sflag:s22], $0x800  }
0x3d: {  	[sflag:s22] =	ssyncset.done $0x0  }
0x3e: {  	s30 =	simm.s32 $0x2880;
	[sflag:s22] =	ssyncadd.s32 $0xFFFFF800  }
0x3f: {  	[spmem:s2] =	stream.indirect.scatter.add.f32 [tilespmem:s16], [sflag:$0x6], $0x10, s30, s14, $0xb8;
	[tilespmem:$0x9780] =	vst v63  }
0x40: {  	_ =	swait.ge [sflag:s24], $0x800  }
0x41: {  	[sflag:s24] =	ssyncset.done $0x0  }
0x42: {  	s5 =	simm.s32 $0x200;
	[sflag:s24] =	ssyncadd.s32 $0xFFFFF800  }
0x43: {  	[tilespmem:s15], [sflag:$0x1] =	stream.indirect.gather [hbm4b:s4+s14], $0x10, s5, s14, $0xb8;
	[tilespmem:$0x9780] =	vst v63  }
0x44: {  	_ =	swait.ge [sflag:s26], $0x800  }
0x45: {  	[sflag:s26] =	ssyncset.done $0x0  }
0x46: {  	s17 =	simm.s32 $0x2900;
	[sflag:s26] =	ssyncadd.s32 $0xFFFFF800  }
0x47: {  	[spmem:s2] =	stream.indirect.scatter.add.f32 [tilespmem:s18], [sflag:$0x7], $0x10, s17, s14, $0xb8;
	[tilespmem:$0x9780] =	vst v63  }
0x48: {  	_ =	swait.ge [sflag:s29], $0x800  }
0x49: {  	[sflag:s29] =	ssyncset.done $0x0  }
0x4a: {  	s25 =	simm.s32 $0x280;
	[sflag:s29] =	ssyncadd.s32 $0xFFFFF800  }
0x4b: {  	[tilespmem:s16], [sflag:$0x2] =	stream.indirect.gather [hbm4b:s4+s14], $0x10, s25, s14, $0xb8;
	[tilespmem:$0x9780] =	vst v63  }
0x4c: {  	_ =	swait.ge [sflag:s31], $0x800  }
0x4d: {  	[sflag:s31] =	ssyncset.done $0x0  }
0x4e: {  	s28 =	simm.s32 $0x2980;
	[sflag:s31] =	ssyncadd.s32 $0xFFFFF800  }
0x4f: {  	[spmem:s2] =	stream.indirect.scatter.add.f32 [tilespmem:s21], [sflag:$0x8], $0x10, s28, s14, $0xb8;
	[tilespmem:$0x9780] =	vst v63  }
0x50: {  	_ =	swait.ge [sflag:s0], $0x800  }
0x51: {  	[sflag:s0] =	ssyncset.done $0x0  }
0x52: {  	s30 =	simm.s32 $0x300;
	s25 =	simm.s32 $0x0;
	[sflag:s0] =	ssyncadd.s32 $0xFFFFF800  }
0x53: {  	[tilespmem:s18], [sflag:$0x3] =	stream.indirect.gather [hbm4b:s4+s14], $0x10, s30, s14, $0xb8;
	[tilespmem:$0x9780] =	vst v63  }
.LBB2_2:
0x54: {  	_ =	swait.ge [sflag:s19], $0x800  }
0x55: {  	s28 =	sshra.s32 s25, $0x2;
	[sflag:s19] =	ssyncset.done $0x0  }
0x56: {  	s30 =	sadd.s32 $0x2A00, s28;
	[sflag:s19] =	ssyncadd.s32 $0xFFFFF800  }
0x57: {  	[spmem:s2] =	stream.indirect.scatter.add.f32 [tilespmem:s15], [sflag:$0x5], $0x10, s30, s14, $0xb8;
	[tilespmem:$0x9780] =	vst v63  }
0x58: {  	_ =	swait.ge [sflag:s20], $0x800  }
0x59: {  	[sflag:s20] =	ssyncset.done $0x0  }
0x5a: {  	s5 =	sadd.s32 $0x380, s28;
	[sflag:s20] =	ssyncadd.s32 $0xFFFFF800  }
0x5b: {  	[tilespmem:s21], [sflag:$0x4] =	stream.indirect.gather [hbm4b:s4+s14], $0x10, s5, s14, $0xb8;
	[tilespmem:$0x9780] =	vst v63  }
0x5c: {  	_ =	swait.ge [sflag:s22], $0x800  }
0x5d: {  	p0 =	seq.s32 s25, $0x9000;
	[sflag:s22] =	ssyncset.done $0x0  }
0x5e: {  	s17 =	sadd.s32 $0x2A80, s28;
	s30 =	simm.s32 @p0 $0x3;
	[sflag:s22] =	ssyncadd.s32 $0xFFFFF800  }
0x5f: {  	[spmem:s2] =	stream.indirect.scatter.add.f32 [tilespmem:s16], [sflag:$0x6], $0x10, s17, s14, $0xb8;
	[tilespmem:$0x9780] =	vst v63  }
0x60: {  	_ =	swait.ge @p0 [sflag:s30], $0x800  }
0x61: {  	[sflag:s30] =	ssyncset.done @p0 $0x0  }
0x62: {  	[sflag:s30] =	ssyncadd.s32 @p0 $0xFFFFF800;
	s30 =	sshra.s32 @p0 s25, $0x2  }
0x63: {  	s1 =	simm.s32 @p0 $0x80;
	s17 =	simm.s32 @p0 $0x6000;
	s30 =	sadd.s32 @p0 $0x2B00, s30  }
0x64: {  	[spmem:s2] =	stream.indirect.scatter.add.f32 @p0 [tilespmem:s17], [sflag:$0x7], $0x10, s30, s1, $0xb8;
	[tilespmem:$0x9780] =	vst v63  }
0x65: {  	s1 =	simm.s32 @!p0 $0x5  }
0x66: {  	_ =	swait.ge @!p0 [sflag:s1], $0x800  }
0x67: {  	[sflag:s1] =	ssyncset.done @!p0 $0x0  }
0x68: {  	[sflag:s1] =	ssyncadd.s32 @!p0 $0xFFFFF800;
	s1 =	sshra.s32 @!p0 s25, $0x2  }
0x69: {  	s5 =	simm.s32 @!p0 $0x5000;
	s30 =	simm.s32 @!p0 $0x80;
	s17 =	sadd.s32 @!p0 $0x400, s1  }
0x6a: {  	[tilespmem:s5], [sflag:$0x1] =	stream.indirect.gather @!p0 [hbm4b:s4+s30], $0x10, s17, s30, $0xb8;
	[tilespmem:$0x9780] =	vst v63  }
0x6b: {  	s5 =	simm.s32 @!p0 $0x3  }
0x6c: {  	_ =	swait.ge @!p0 [sflag:s5], $0x800  }
0x6d: {  	[sflag:s5] =	ssyncset.done @!p0 $0x0  }
0x6e: {  	s17 =	simm.s32 @!p0 $0x6000;
	[sflag:s5] =	ssyncadd.s32 @!p0 $0xFFFFF800;
	s5 =	sadd.s32 @!p0 $0x2B00, s1  }
0x6f: {  	[spmem:s2] =	stream.indirect.scatter.add.f32 @!p0 [tilespmem:s17], [sflag:$0x7], $0x10, s5, s30, $0xb8;
	[tilespmem:$0x9780] =	vst v63  }
0x70: {  	s5 =	simm.s32 @!p0 $0x6  }
0x71: {  	_ =	swait.ge @!p0 [sflag:s5], $0x800  }
0x72: {  	[sflag:s5] =	ssyncset.done @!p0 $0x0  }
0x73: {  	s1 =	sadd.s32 @!p0 $0x480, s1;
	[sflag:s5] =	ssyncadd.s32 @!p0 $0xFFFFF800;
	s5 =	simm.s32 @!p0 $0x5800  }
0x74: {  	[tilespmem:s5], [sflag:$0x2] =	stream.indirect.gather @!p0 [hbm4b:s4+s30], $0x10, s1, s30, $0xb8;
	[tilespmem:$0x9780] =	vst v63  }
.Ltmp2:
0x75: {  	_ = 	snop;
	(pc) =	sbr.rel @p0 .LBB2_4-.Ltmp2, $4  }
0x76: {  	_ =	swait.ge [sflag:s31], $0x800  }
0x77: {  	[sflag:s31] =	ssyncset.done $0x0  }
0x78: {  	s30 =	sadd.s32 $0x2B80, s28;
	[sflag:s31] =	ssyncadd.s32 $0xFFFFF800  }
0x79: {  	[spmem:s2] =	stream.indirect.scatter.add.f32 [tilespmem:s21], [sflag:$0x8], $0x10, s30, s14, $0xb8;
	[tilespmem:$0x9780] =	vst v63  }
.Ltmp3:
0x7a: {  	(pc) =	sbr.rel .LBB2_2-.Ltmp3, $4  }
0x7b: {  	_ =	swait.ge [sflag:s0], $0x800  }
0x7c: {  	[sflag:s0] =	ssyncset.done $0x0  }
0x7d: {  	s1 =	sadd.s32 $0x500, s28;
	s25 =	sadd.s32 $0x800, s25;
	[sflag:s0] =	ssyncadd.s32 $0xFFFFF800  }
0x7e: {  	[tilespmem:s18], [sflag:$0x3] =	stream.indirect.gather [hbm4b:s4+s14], $0x10, s1, s14, $0xb8;
	[tilespmem:$0x9780] =	vst v63  }
.LBB2_5:
0x7f: {  	_ =	sfence.sel $0x180000  }
0x80: {  	[bflag:$0x0] =	sbarrier.arrive $0xFFFF  }
0x81: {  	_ =	strace $0x9000004D  }
0x82: {  	s0 =	stileid.u32;
	[bflag:$0x2] =	sbarrier.arrive $0xFFFF  }
0x83: {  	p0 =	sne.s32 s0, $0x0;
	s0 =	rddreg [dreg:$0x2]  }
0x84: {  	s0 =	sadd.s32 @!p0 $0x100000, s0  }
0x85: {  	[sflag:s0] =	ssyncadd.tile.s32 @!p0 $0x1;
	_ =	shalt  }
.Lfunc_end2:
_tile_overlayer_lowered:
.L_overlay_start_2:
0x86: {  	(tag) =	ssettag $0x2  }
0x87: {  	s0 =	rddreg [dreg:$0x0];
	s2 =	stileid.u32  }
0x88: {  	s1 =	rddreg [dreg:$0x1];
	p0 =	sne.s32 s2, $0x0  }
0x89: {  	s3 =	rddreg [dreg:$0x2];
	[bflag:$0x3] =	sbarrier.arrive $0xFFFF;
	s2 =	simm.s32 @!p0 $0x1C09  }
0x8a: {  	[timem:s3], [sflag:s2] =	dma.local @!p0 [hbm:s0], s1  }
0x8b: {  	s0 =	simm.s32 @!p0 $0x9  }
0x8c: {  	_ =	swait.ge @!p0 [sflag:s0], s1  }
0x8d: {  	s1 =	ssub.s32 @!p0 $0x0, s1;
	[sflag:s0] =	ssyncset.done @!p0 $0x0  }
0x8e: {  	[sflag:s0] =	ssyncadd.s32 @!p0 s1  }
0x8f: {  	[bflag:$0x3] =	sbarrier.arrive $0xFFFF  }
0x90: {  	_ =	shalt  }

// kernel: kernel.9.cloned.1.call-start
scs
__scs_entry_jumppad:
0x0: {  	(pc) =	sbr.rel $0x88, $3  }
0x1: {  	(tag) =	ssettag $0x0;
	lr =	simm.s32 $0x1  }
0x2: {  	[smem:$0x3F92] =	sst lr;
	_ =	strace $0xD0000000  }
0x3: {  	_ = 	snop  }
0x4: {  	_ = 	snop  }
0x5: {  	_ = 	snop  }
0x6: {  	_ = 	snop  }
0x7: {  	_ = 	snop  }
__scs_overlays_trampoline_lowered:
0x8: {  	[smem:$0x3FA1] =	sst s0  }
0x9: {  	[smem:$0x3FA2] =	sst s1  }
0xa: {  	[smem:$0x3FA3] =	sst s2  }
0xb: {  	[smem:$0x3FA4] =	sst s3  }
0xc: {  	[smem:$0x3FA5] =	sst s4  }
0xd: {  	[smem:$0x3FA6] =	sst s5  }
0xe: {  	[smem:$0x3FA7] =	sst s6  }
0xf: {  	[smem:$0x3FA8] =	sst s7  }
0x10: {  	[smem:$0x3FA9] =	sst s8  }
0x11: {  	[smem:$0x3FAA] =	sst s9;
	s0 =	simm.s32 @!p0 $0x0  }
0x12: {  	s1 =	sld [smem:$0x3F90];
	s0 =	simm.s32 @p0 $0x1  }
0x13: {  	[smem:$0x3FAB] =	sst s0;
	s0 =	simm.s32 @!p1 $0x0  }
0x14: {  	s2 =	sld [smem:$0x3F8F];
	s0 =	simm.s32 @p1 $0x1  }
0x15: {  	[smem:$0x3FAC] =	sst s0;
	s0 =	simm.s32 @!p2 $0x0  }
0x16: {  	s3 =	sld [smem:$0x3FDB];
	s0 =	simm.s32 @p2 $0x1  }
0x17: {  	s4 =	simm.s32 $0x1BF5;
	[smem:$0x3FAE] =	sst s0  }
0x18: {  	s0 =	sld [smem:$0x3F91];
	_ =	swait.ge [sflag:s4], $0x0  }
0x19: {  	s7 =	sld [smem:$0x3F92]  }
0x1a: {  	s8 =	sadd.s32 $0xFFFFE003, lr  }
0x1b: {  	s9 =	sadd.s32 $0xFFFFFEF7, lr;
	s5 =	simm.s32 $0xFFFFFFFF;
	p2 =	slt.u32 s8, $0xFFFFF086  }
0x1c: {  	p1 =	slt.u32 s9, $0xF7A;
	s5 =	simm.s32 @!p2 $0x0  }
0x1d: {  	s5 =	simm.s32 @p1 $0x1;
	p0 =	seq.s32 s7, s2  }
0x1e: {  	s7 =	smul.u32 @!p0 $0xF7A, s2;
	p2 =	seq.s32 @!p0 s5, $0x0  }
0x1f: {  	s9 =	smul.u32 $0xF7A, s1;
	s8 =	simm.s32 @!p0 $0x1BF5;
	p2 =	por !p2, p0  }
0x20: {  	[sflag:s8] =	ssyncset.s32 @!p0 $0xFFFFF086;
	s6 =	sadd.s32 @!p0 s3, s7;
	s7 =	simm.s32 @!p0 $0x108  }
0x21: {  	s3 =	sadd.s32 s3, s9;
	s6 =	sadd.s32 @!p0 $0x88, s6;
	s7 =	simm.s32 @p2 $0x1082  }
0x22: {  	[simem:s7], [sflag:s8] =	dma.local @!p0 [hbm:s6], $0xF7A  }
0x23: {  	s9 =	sor.u32 $0xD0000000, s2;
	s6 =	simm.s32 $0x108;
	_ =	swait.ge @!p0 [sflag:s8], $0x0  }
0x24: {  	s3 =	sadd.s32 $0x88, s3;
	s6 =	simm.s32 @!p1 $0x1082;
	[sflag:s4] =	ssyncset.s32 $0xFFFFF086  }
0x25: {  	[simem:s6], [sflag:s4] =	dma.local [hbm:s3], $0xF7A  }
0x26: {  	[smem:$0x3F92] =	sst s1;
	(tag) =	ssettag s2;
	_ =	strace s9  }
0x27: {  	s1 =	sld [smem:$0x3FA2]  }
0x28: {  	s2 =	sld [smem:$0x3FA3]  }
0x29: {  	s4 =	sld [smem:$0x3FA5]  }
0x2a: {  	p0 =	seq.s32 s5, $0x0;
	s5 =	sld [smem:$0x3FA6]  }
0x2b: {  	s6 =	sld [smem:$0x3FA7]  }
0x2c: {  	s7 =	sld [smem:$0x3FA8]  }
0x2d: {  	s3 =	simm.s32 $0x108;
	s8 =	sld [smem:$0x3FA9]  }
0x2e: {  	s3 =	simm.s32 @!p0 $0x1082;
	s9 =	sld [smem:$0x3FAA]  }
0x2f: {  	lr =	sadd.s32 s0, s3;
	s0 =	sld [smem:$0x3FA1]  }
0x30: {  	s3 =	sld [smem:$0x3FA4]  }
0x31: {  	[smem:$0x3FAD] =	sst s10  }
0x32: {  	s10 =	sld [smem:$0x3FAB];
	_ =	sdelay $0x3  }
0x33: {  	p0 =	seq.s32 s10, $0x1;
	s10 =	sld [smem:$0x3FAD];
	_ =	sdelay $0x3  }
0x34: {  	[smem:$0x3FAD] =	sst s10  }
0x35: {  	s10 =	sld [smem:$0x3FAC];
	_ =	sdelay $0x3  }
0x36: {  	p1 =	seq.s32 s10, $0x1;
	s10 =	sld [smem:$0x3FAD];
	_ =	sdelay $0x3  }
0x37: {  	[smem:$0x3FAD] =	sst s10  }
0x38: {  	s10 =	sld [smem:$0x3FAE]  }
0x39: {  	_ = 	snop;
	(pc) =	sbr.ind lr, $3  }
0x3a: {  	_ = 	snop  }
0x3b: {  	_ = 	snop  }
0x3c: {  	p2 =	seq.s32 s10, $0x1;
	s10 =	sld [smem:$0x3FAD]  }
0x3d: {  	_ =	shalt  }
0x3e: {  	_ =	shalt  }
0x3f: {  	_ =	shalt  }
0x40: {  	_ =	shalt  }
0x41: {  	_ =	shalt  }
0x42: {  	_ =	shalt  }
0x43: {  	_ =	shalt  }
0x44: {  	_ =	shalt  }
0x45: {  	_ =	shalt  }
0x46: {  	_ =	shalt  }
0x47: {  	_ =	shalt  }
0x48: {  	_ =	shalt  }
0x49: {  	_ =	shalt  }
0x4a: {  	_ =	shalt  }
0x4b: {  	_ =	shalt  }
0x4c: {  	_ =	shalt  }
0x4d: {  	_ =	shalt  }
0x4e: {  	_ =	shalt  }
0x4f: {  	_ =	shalt  }
0x50: {  	_ =	shalt  }
0x51: {  	_ =	shalt  }
0x52: {  	_ =	shalt  }
0x53: {  	_ =	shalt  }
0x54: {  	_ =	shalt  }
0x55: {  	_ =	shalt  }
0x56: {  	_ =	shalt  }
0x57: {  	_ =	shalt  }
0x58: {  	_ =	shalt  }
0x59: {  	_ =	shalt  }
0x5a: {  	_ =	shalt  }
0x5b: {  	_ =	shalt  }
0x5c: {  	_ =	shalt  }
0x5d: {  	_ =	shalt  }
0x5e: {  	_ =	shalt  }
0x5f: {  	_ =	shalt  }
0x60: {  	_ =	shalt  }
0x61: {  	_ =	shalt  }
0x62: {  	_ =	shalt  }
0x63: {  	_ =	shalt  }
0x64: {  	_ =	shalt  }
0x65: {  	_ =	shalt  }
0x66: {  	_ =	shalt  }
0x67: {  	_ =	shalt  }
0x68: {  	_ =	shalt  }
0x69: {  	_ =	shalt  }
0x6a: {  	_ =	shalt  }
0x6b: {  	_ =	shalt  }
0x6c: {  	_ =	shalt  }
0x6d: {  	_ =	shalt  }
0x6e: {  	_ =	shalt  }
0x6f: {  	_ =	shalt  }
0x70: {  	_ =	shalt  }
0x71: {  	_ =	shalt  }
0x72: {  	_ =	shalt  }
0x73: {  	_ =	shalt  }
0x74: {  	_ =	shalt  }
0x75: {  	_ =	shalt  }
0x76: {  	_ =	shalt  }
0x77: {  	_ =	shalt  }
0x78: {  	_ =	shalt  }
0x79: {  	_ =	shalt  }
0x7a: {  	_ =	shalt  }
0x7b: {  	_ =	shalt  }
0x7c: {  	_ =	shalt  }
0x7d: {  	_ =	shalt  }
0x7e: {  	_ =	shalt  }
0x7f: {  	_ =	shalt  }
0x80: {  	_ =	shalt  }
0x81: {  	_ =	shalt  }
0x82: {  	_ =	shalt  }
0x83: {  	_ =	shalt  }
0x84: {  	_ =	shalt  }
0x85: {  	_ =	shalt  }
0x86: {  	_ =	shalt  }
0x87: {  	_ =	shalt  }
.Lfunc_end0:
.L_simem_size_0:
called_computation_lowered:
.L_overlay_start_0:
0x88: {  	s2 =	sld [smem:$0x3FD9]  }
0x89: {  	s3 =	sld [smem:$0x3FFE];
	_ =	sdelay $0x1  }
0x8a: {  	s1 =	srdreg.scid  }
0x8b: {  	s0 =	sand.u32 $0x1, s1  }
0x8c: {  	s16 =	sshll.u32 s0, $0xA;
	s2 =	sadd.s32 s3, s2  }
0x8d: {  	s2 =	sadd.s32 s2, s16  }
0x8e: {  	[smem:$0x3FB9] =	sst s2  }
0x8f: {  	_ = 	snop  }
0x90: {  	(tm) =	ssettm $0x1  }
0x91: {  	s17 =	sld [smem:$0x3FFB];
	_ =	sdelay $0x3  }
0x92: {  	_ =	strace s17  }
0x93: {  	s2 =	sld [smem:$0x3FFC];
	_ =	sdelay $0x3  }
0x94: {  	_ =	strace s2  }
0x95: {  	s2 =	sld [smem:$0x3FFD];
	_ =	sdelay $0x3  }
0x96: {  	_ =	strace s2  }
0x97: {  	_ =	strace $0x8FFFFFFF  }
0x98: {  	s18 =	sld [smem:$0x3FDB];
	_ =	sdelay $0x1  }
0x99: {  	s19 =	simm.s32 $_scs_section_size  }
0x9a: {  	s4 =	simm.s32 $_size__tile_overlayer_lowered;
	s5 =	simm.s32 $_tile_overlayer_lowered  }
0x9b: {  	s22 =	simm.s32 $0x1BFF;
	s21 =	sshll.u32 s5, $0x1;
	s2 =	sadd.s32 s19, s18  }
0x9c: {  	s6 =	simm.s32 $0x0;
	s20 =	sshll.u32 s4, $0x1;
	s4 =	sadd.s32 s21, s2  }
0x9d: {  	[timem:s6], [sflag:s22] =	dma.local [hbm:s4], s20  }
0x9e: {  	_ =	swait.ge [sflag:s22], s20  }
0x9f: {  	s3 =	ssub.s32 $0x0, s20;
	[sflag:s22] =	ssyncset.done $0x0  }
0xa0: {  	[sflag:s22] =	ssyncadd.s32 s3;
	_ =	sdelay $0x1  }
0xa1: {  	s23 =	simm.s32 $0x1B8B  }
0xa2: {  	_ =	swait.ge [sflag:s23], $0x1  }
0xa3: {  	[sflag:s23] =	ssyncset.done $0x0  }
0xa4: {  	s25 =	simm.s32 $0x1B8E;
	s24 =	sld [smem:$0x3FFE];
	[sflag:s23] =	ssyncadd.s32 $0xFFFFFFFF  }
0xa5: {  	s26 =	simm.s32 $execute0_lowered;
	[smem:$0x3FD2] =	sst s25  }
0xa6: {  	s4 =	sshll.u32 s26, $0x1;
	_ =	strace $0x80000046;
	[dreg:$0x1] =	wrdreg $0xFFFFFFFF  }
0xa7: {  	s28 =	simm.s32 $_size_execute0_lowered;
	s2 =	sadd.s32 s2, s4;
	[dreg:$0x0] =	wrdreg $0x0  }
0xa8: {  	s4 =	sshll.u32 s28, $0x1;
	[dreg:$0x2] =	wrdreg s2  }
0xa9: {  	[dreg:$0x3] =	wrdreg s4  }
0xaa: {  	[dreg:$0x4] =	wrdreg $0xC0  }
0xab: {  	_ =	task [dreg:s6], $0x5FFFF  }
0xac: {  	[dreg:$0x1] =	wrdreg $0xFFFFFFFF  }
0xad: {  	[dreg:$0x0] =	wrdreg $0x60  }
0xae: {  	[dreg:$0x2] =	wrdreg s24  }
0xaf: {  	[dreg:$0x3] =	wrdreg $0xA8000  }
0xb0: {  	[dreg:$0x4] =	wrdreg $0x9  }
0xb1: {  	_ =	task.clear_ibuf [dreg:s6], $0x5FFFF;
	_ =	strace $0x90000046  }
0xb2: {  	s29 =	simm.s32 $0x9;
	_ =	strace $0x80000048  }
0xb3: {  	_ =	swait.ge [sflag:s29], $0x1  }
0xb4: {  	[sflag:s29] =	ssyncadd.s32 $0xFFFFFFFF  }
0xb5: {  	_ =	strace $0x90000048  }
0xb6: {  	_ =	sfence  }
0xb7: {  	s30 =	sld [smem:$0x0];
	_ =	sdelay $0x2  }
0xb8: {  	s31 =	sshll.u32 s1, $0xD;
	s1 =	sshrl.u32 s1, $0x2  }
0xb9: {  	s3 =	sand.u32 $0x4000, s31;
	s1 =	sadd.s32 s1, s30  }
0xba: {  	s0 =	sor.u32 s3, s0;
	s1 =	sshll.u32 s1, $0x11  }
0xbb: {  	s0 =	sor.u32 s1, s0  }
0xbc: {  	s0 =	sadd.s32 $0x8F2B, s0  }
0xbd: {  	[sflag:s0] =	ssyncadd.remote.s32 $0x1  }
0xbe: {  	_ =	sfence.sel $0xFFFF  }
0xbf: {  	[dreg:$0x0] =	wrdreg $0xFFFFFFFF;
	(pc) =	sbr.abs _section_cstart, $3  }
0xc0: {  	[dreg:$0x1] =	wrdreg $0xFFFFFFFF  }
0xc1: {  	_ =	task.clear_ibuf [dreg:s6], $0x2FFFF;
	_ =	strace $0x9FFFFFFF  }
0xc2: {  	(tm) =	ssettm $0x7FFFFFFF  }
0xc3: {  	_ =	shalt  }
tec
execute0_lowered:
.L_overlay_start_1:
0x0: {  	(tag) =	ssettag $0x1  }
0x1: {  	s5 =	rddreg [dreg:$0x0]  }
0x2: {  	s1 =	rddreg [dreg:$0x1]  }
0x3: {  	s0 =	rddreg [dreg:$0x2];
	s3 =	simm.s32 $0x0;
	s2 =	stileid.u32  }
0x4: {  	s6 =	srdreg.scid;
	s16 =	simm.s32 $0x80;
	s17 =	simm.s32 $0x2800  }
0x5: {  	s18 =	simm.s32 $0x6800;
	s19 =	simm.s32 $0x1;
	s20 =	simm.s32 $0x2  }
0x6: {  	s21 =	simm.s32 $0x1380;
	s22 =	simm.s32 $0x2700;
	s23 =	simm.s32 $0x2780  }
0x7: {  	s24 =	simm.s32 $0x0;
	[smem:$0x7FF] =	sst s3;
	s4 =	sadd.s32 $0x2800, s5  }
0x8: {  	s7 =	smul.u32 $0x2780, s2;
	s6 =	sand.u32 $0x1, s6;
	s9 =	sadd.s32 $0x2A800, s5  }
0x9: {  	s10 =	sadd.s32 $0x34800, s5;
	s13 =	smul.u32 $0x4F000, s2;
	s29 =	sshll.u32 s2, $0x6  }
0xa: {  	_ =	strace $0x80000047;
	s8 =	smul.u32 $0x27800, s6;
	s12 =	sshll.u32 s6, $0x4  }
0xb: {  	s6 =	ssub.s32 $0x2, s6;
	s11 =	sadd.s32 s7, s5;
	s26 =	sor.u32 s2, s12  }
0xc: {  	s28 =	sshrl.u32 s6, $0x1;
	s13 =	sshrl.u32 s13, $0x2;
	s7 =	sadd.s32 s7, s8  }
0xd: {  	s14 =	smul.u32 $0x2800, s26;
	s12 =	ssub.s32 s6, s28;
	s13 =	sadd.s32 s13, s1  }
0xe: {  	s8 =	smul.u32 $0x500, s26;
	s6 =	sor.u32 $0x1C03, s29;
	s15 =	sadd.s32 s7, s5  }
0xf: {  	s5 =	sadd.s32 $0x3E800, s11;
	s12 =	smax.u32 s12, $0x1;
	s13 =	sshrl.u32 s13, $0x3  }
0x10: {  	s30 =	sshrl.u32 s14, $0x3;
	s7 =	sadd.s32 s9, s8;
	s8 =	sadd.s32 s10, s8  }
0x11: {  	s11 =	sadd.s32 $0x66000, s15;
	s14 =	simm.s32 $0x3;
	s31 =	sadd.s32 $0x280, s30  }
0x12: {  	s15 =	simm.s32 $0x1400;
	s9 =	sadd.s32 s9, s31;
	s10 =	sadd.s32 s10, s31  }
.LBB2_1:
0x13: {  	[spmem:s13], [sflag:s6] =	dma.local [hbm:s5], $0x2780  }
0x14: {  	_ =	swait.ge [sflag:s14], $0x2780  }
0x15: {  	[sflag:s14] =	ssyncset.done $0x0  }
0x16: {  	[sflag:s14] =	ssyncadd.s32 $0xFFFFD880  }
0x17: {  	[bflag:$0x0] =	sbarrier.arrive $0xFFFF  }
0x18: {  	[tilespmem:s3], [sflag:$0x3] =	stream.linear.gather [hbm4b:s7+s3], $0x1400, $0x38;
	[tilespmem:$0x1E400] =	vst v63  }
0x19: {  	_ =	swait.ge [sflag:s14], $0x1400  }
0x1a: {  	[sflag:s14] =	ssyncset.done $0x0  }
0x1b: {  	[sflag:s14] =	ssyncadd.s32 $0xFFFFEC00  }
0x1c: {  	[tilespmem:s15], [sflag:$0x3] =	stream.linear.gather [hbm4b:s8+s3], $0x1400, $0x38;
	[tilespmem:$0x1E400] =	vst v63  }
0x1d: {  	_ =	swait.ge [sflag:s14], $0x1400  }
0x1e: {  	[sflag:s14] =	ssyncset.done $0x0  }
0x1f: {  	[sflag:s14] =	ssyncadd.s32 $0xFFFFEC00  }
0x20: {  	[tilespmem:s17], [sflag:$0x1] =	stream.indirect.gather [hbm4b:s4+s16], $0x80, s3, s16, $0xb8;
	[tilespmem:$0x1E400] =	vst v63  }
0x21: {  	s25 =	simm.s32 $0x80  }
0x22: {  	[tilespmem:s18], [sflag:$0x2] =	stream.indirect.gather [hbm4b:s4+s16], $0x80, s25, s16, $0xb8;
	[tilespmem:$0x1E400] =	vst v63  }
0x23: {  	_ =	swait.ge [sflag:s19], $0x4000  }
0x24: {  	[sflag:s19] =	ssyncset.done $0x0  }
0x25: {  	s29 =	simm.s32 $0x1400;
	[sflag:s19] =	ssyncadd.s32 $0xFFFFC000  }
0x26: {  	[spmem:s1] =	stream.indirect.scatter.add.f32 [tilespmem:s17], [sflag:$0x3], $0x80, s29, s16, $0xb8;
	[tilespmem:$0x1E400] =	vst v63  }
0x27: {  	_ =	swait.ge [sflag:s14], $0x4000  }
0x28: {  	[sflag:s14] =	ssyncset.done $0x0  }
0x29: {  	s30 =	simm.s32 $0x100;
	[sflag:s14] =	ssyncadd.s32 $0xFFFFC000  }
0x2a: {  	[tilespmem:s17], [sflag:$0x1] =	stream.indirect.gather [hbm4b:s4+s16], $0x80, s30, s16, $0xb8;
	[tilespmem:$0x1E400] =	vst v63  }
0x2b: {  	_ =	swait.ge [sflag:s20], $0x4000  }
0x2c: {  	[sflag:s20] =	ssyncset.done $0x0  }
0x2d: {  	s31 =	simm.s32 $0x1480;
	[sflag:s20] =	ssyncadd.s32 $0xFFFFC000  }
0x2e: {  	[spmem:s1] =	stream.indirect.scatter.add.f32 [tilespmem:s18], [sflag:$0x3], $0x80, s31, s16, $0xb8;
	[tilespmem:$0x1E400] =	vst v63  }
0x2f: {  	_ =	swait.ge [sflag:s14], $0x4000  }
0x30: {  	s26 =	simm.s32 $0x800;
	s25 =	simm.s32 $0x100;
	[sflag:s14] =	ssyncset.done $0x0  }
.LBB2_2:
0x31: {  	s28 =	sadd.s32 $0x80, s25  }
0x32: {  	[sflag:s14] =	ssyncadd.s32 $0xFFFFC000;
	s29 =	smov.u32 s26;
	s30 =	sadd.s32 $0x400, s26  }
0x33: {  	[tilespmem:s18], [sflag:$0x2] =	stream.indirect.gather [hbm4b:s4+s16], $0x80, s28, s16, $0xb8;
	[tilespmem:$0x1E400] =	vst v63  }
0x34: {  	p0 =	sne.s32 s26, $0x4800;
	_ =	swait.ge [sflag:s19], $0x4000  }
0x35: {  	[sflag:s19] =	ssyncset.done $0x0  }
0x36: {  	s26 =	sadd.s32 $0x1400, s25;
	[sflag:s19] =	ssyncadd.s32 $0xFFFFC000  }
0x37: {  	[spmem:s1] =	stream.indirect.scatter.add.f32 [tilespmem:s17], [sflag:$0x3], $0x80, s26, s16, $0xb8;
	[tilespmem:$0x1E400] =	vst v63  }
0x38: {  	_ =	swait.ge [sflag:s14], $0x4000  }
0x39: {  	[sflag:s14] =	ssyncset.done $0x0  }
0x3a: {  	s26 =	sadd.s32 $0x100, s25;
	[sflag:s14] =	ssyncadd.s32 $0xFFFFC000  }
0x3b: {  	[tilespmem:s17], [sflag:$0x1] =	stream.indirect.gather [hbm4b:s4+s16], $0x80, s26, s16, $0xb8;
	[tilespmem:$0x1E400] =	vst v63  }
0x3c: {  	_ =	swait.ge [sflag:s20], $0x4000  }
.Ltmp0:
0x3d: {  	[sflag:s20] =	ssyncset.done $0x0;
	(pc) =	sbr.rel @p0 .LBB2_2-.Ltmp0, $4  }
0x3e: {  	s25 =	sadd.s32 $0x1480, s25;
	[sflag:s20] =	ssyncadd.s32 $0xFFFFC000  }
0x3f: {  	[spmem:s1] =	stream.indirect.scatter.add.f32 [tilespmem:s18], [sflag:$0x3], $0x80, s25, s16, $0xb8;
	[tilespmem:$0x1E400] =	vst v63  }
0x40: {  	_ =	swait.ge [sflag:s14], $0x4000  }
0x41: {  	s26 =	smov.u32 s30;
	s25 =	sshra.s32 s29, $0x2;
	[sflag:s14] =	ssyncset.done $0x0  }
0x42: {  	s26 =	sadd.s32 $0x80, s25;
	[sflag:s14] =	ssyncadd.s32 $0xFFFFC000  }
0x43: {  	[tilespmem:s18], [sflag:$0x2] =	stream.indirect.gather [hbm4b:s4+s16], $0x80, s26, s16, $0xb8;
	[tilespmem:$0x1E400] =	vst v63  }
0x44: {  	_ =	swait.ge [sflag:s19], $0x4000  }
0x45: {  	[sflag:s19] =	ssyncset.done $0x0  }
0x46: {  	s29 =	sadd.s32 $0x1400, s25;
	[sflag:s19] =	ssyncadd.s32 $0xFFFFC000  }
0x47: {  	[spmem:s1] =	stream.indirect.scatter.add.f32 [tilespmem:s17], [sflag:$0x3], $0x80, s29, s16, $0xb8;
	[tilespmem:$0x1E400] =	vst v63  }
0x48: {  	_ =	swait.ge [sflag:s14], $0x4000  }
0x49: {  	[sflag:s14] =	ssyncset.done $0x0  }
0x4a: {  	s30 =	sadd.s32 $0x100, s25;
	[sflag:s14] =	ssyncadd.s32 $0xFFFFC000  }
0x4b: {  	[tilespmem:s17], [sflag:$0x1] =	stream.indirect.gather [hbm4b:s4+s16], $0x80, s30, s16, $0xb8;
	[tilespmem:$0x1E400] =	vst v63  }
0x4c: {  	_ =	swait.ge [sflag:s20], $0x4000  }
0x4d: {  	[sflag:s20] =	ssyncset.done $0x0  }
0x4e: {  	s31 =	sadd.s32 $0x1480, s25;
	[sflag:s20] =	ssyncadd.s32 $0xFFFFC000  }
0x4f: {  	[spmem:s1] =	stream.indirect.scatter.add.f32 [tilespmem:s18], [sflag:$0x3], $0x80, s31, s16, $0xb8;
	[tilespmem:$0x1E400] =	vst v63  }
0x50: {  	_ =	swait.ge [sflag:s14], $0x4000  }
0x51: {  	[sflag:s14] =	ssyncset.done $0x0  }
0x52: {  	[sflag:s14] =	ssyncadd.s32 $0xFFFFC000  }
0x53: {  	[tilespmem:s18], [sflag:$0x2] =	stream.indirect.gather [hbm4b:s4+s16], $0x80, s21, s16, $0xb8;
	[tilespmem:$0x1E400] =	vst v63  }
0x54: {  	_ =	swait.ge [sflag:s19], $0x4000  }
0x55: {  	[sflag:s19] =	ssyncset.done $0x0  }
0x56: {  	[sflag:s19] =	ssyncadd.s32 $0xFFFFC000  }
0x57: {  	[spmem:s1] =	stream.indirect.scatter.add.f32 [tilespmem:s17], [sflag:$0x3], $0x80, s22, s16, $0xb8;
	[tilespmem:$0x1E400] =	vst v63  }
0x58: {  	_ =	swait.ge [sflag:s14], $0x4000  }
0x59: {  	[sflag:s14] =	ssyncset.done $0x0  }
0x5a: {  	[sflag:s14] =	ssyncadd.s32 $0xFFFFC000  }
0x5b: {  	_ =	swait.ge [sflag:s20], $0x4000  }
0x5c: {  	[sflag:s20] =	ssyncset.done $0x0  }
0x5d: {  	[sflag:s20] =	ssyncadd.s32 $0xFFFFC000  }
0x5e: {  	[spmem:s1] =	stream.indirect.scatter.add.f32 [tilespmem:s18], [sflag:$0x3], $0x80, s23, s16, $0xb8;
	[tilespmem:$0x1E400] =	vst v63  }
0x5f: {  	_ =	swait.ge [sflag:s14], $0x4000  }
0x60: {  	[sflag:s14] =	ssyncset.done $0x0  }
0x61: {  	s26 =	simm.s32 $0x0;
	[sflag:s14] =	ssyncadd.s32 $0xFFFFC000  }
0x62: {  	[tilespmem:s26], [sflag:$0x3] =	stream.linear.gather [hbm4b:s9+s26], $0x1400, $0x38;
	[tilespmem:$0x1E400] =	vst v63  }
0x63: {  	_ =	swait.ge [sflag:s14], $0x1400  }
0x64: {  	[sflag:s14] =	ssyncset.done $0x0  }
0x65: {  	[sflag:s14] =	ssyncadd.s32 $0xFFFFEC00  }
0x66: {  	[tilespmem:s15], [sflag:$0x3] =	stream.linear.gather [hbm4b:s10+s26], $0x1400, $0x38;
	[tilespmem:$0x1E400] =	vst v63  }
0x67: {  	_ =	swait.ge [sflag:s14], $0x1400  }
0x68: {  	[sflag:s14] =	ssyncset.done $0x0  }
0x69: {  	[sflag:s14] =	ssyncadd.s32 $0xFFFFEC00  }
0x6a: {  	[tilespmem:s17], [sflag:$0x1] =	stream.indirect.gather [hbm4b:s4+s16], $0x80, s26, s16, $0xb8;
	[tilespmem:$0x1E400] =	vst v63  }
0x6b: {  	s28 =	simm.s32 $0x80  }
0x6c: {  	[tilespmem:s18], [sflag:$0x2] =	stream.indirect.gather [hbm4b:s4+s16], $0x80, s28, s16, $0xb8;
	[tilespmem:$0x1E400] =	vst v63  }
0x6d: {  	_ =	swait.ge [sflag:s19], $0x4000  }
0x6e: {  	[sflag:s19] =	ssyncset.done $0x0  }
0x6f: {  	s29 =	simm.s32 $0x1400;
	[sflag:s19] =	ssyncadd.s32 $0xFFFFC000  }
0x70: {  	[spmem:s1] =	stream.indirect.scatter.add.f32 [tilespmem:s17], [sflag:$0x3], $0x80, s29, s16, $0xb8;
	[tilespmem:$0x1E400] =	vst v63  }
0x71: {  	_ =	swait.ge [sflag:s14], $0x4000  }
0x72: {  	[sflag:s14] =	ssyncset.done $0x0  }
0x73: {  	s30 =	simm.s32 $0x100;
	[sflag:s14] =	ssyncadd.s32 $0xFFFFC000  }
0x74: {  	[tilespmem:s17], [sflag:$0x1] =	stream.indirect.gather [hbm4b:s4+s16], $0x80, s30, s16, $0xb8;
	[tilespmem:$0x1E400] =	vst v63  }
0x75: {  	_ =	swait.ge [sflag:s20], $0x4000  }
0x76: {  	[sflag:s20] =	ssyncset.done $0x0  }
0x77: {  	s31 =	simm.s32 $0x1480;
	[sflag:s20] =	ssyncadd.s32 $0xFFFFC000  }
0x78: {  	[spmem:s1] =	stream.indirect.scatter.add.f32 [tilespmem:s18], [sflag:$0x3], $0x80, s31, s16, $0xb8;
	[tilespmem:$0x1E400] =	vst v63  }
0x79: {  	_ =	swait.ge [sflag:s14], $0x4000  }
0x7a: {  	s25 =	simm.s32 $0x100;
	s26 =	simm.s32 $0x800;
	[sflag:s14] =	ssyncset.done $0x0  }
.LBB2_4:
0x7b: {  	s28 =	sadd.s32 $0x80, s25  }
0x7c: {  	[sflag:s14] =	ssyncadd.s32 $0xFFFFC000;
	s29 =	smov.u32 s26;
	s30 =	sadd.s32 $0x400, s26  }
0x7d: {  	[tilespmem:s18], [sflag:$0x2] =	stream.indirect.gather [hbm4b:s4+s16], $0x80, s28, s16, $0xb8;
	[tilespmem:$0x1E400] =	vst v63  }
0x7e: {  	p0 =	sne.s32 s26, $0x4800;
	_ =	swait.ge [sflag:s19], $0x4000  }
0x7f: {  	[sflag:s19] =	ssyncset.done $0x0  }
0x80: {  	s26 =	sadd.s32 $0x1400, s25;
	[sflag:s19] =	ssyncadd.s32 $0xFFFFC000  }
0x81: {  	[spmem:s1] =	stream.indirect.scatter.add.f32 [tilespmem:s17], [sflag:$0x3], $0x80, s26, s16, $0xb8;
	[tilespmem:$0x1E400] =	vst v63  }
0x82: {  	_ =	swait.ge [sflag:s14], $0x4000  }
0x83: {  	[sflag:s14] =	ssyncset.done $0x0  }
0x84: {  	s26 =	sadd.s32 $0x100, s25;
	[sflag:s14] =	ssyncadd.s32 $0xFFFFC000  }
0x85: {  	[tilespmem:s17], [sflag:$0x1] =	stream.indirect.gather [hbm4b:s4+s16], $0x80, s26, s16, $0xb8;
	[tilespmem:$0x1E400] =	vst v63  }
0x86: {  	_ =	swait.ge [sflag:s20], $0x4000  }
.Ltmp1:
0x87: {  	[sflag:s20] =	ssyncset.done $0x0;
	(pc) =	sbr.rel @p0 .LBB2_4-.Ltmp1, $4  }
0x88: {  	s25 =	sadd.s32 $0x1480, s25;
	[sflag:s20] =	ssyncadd.s32 $0xFFFFC000  }
0x89: {  	[spmem:s1] =	stream.indirect.scatter.add.f32 [tilespmem:s18], [sflag:$0x3], $0x80, s25, s16, $0xb8;
	[tilespmem:$0x1E400] =	vst v63  }
0x8a: {  	_ =	swait.ge [sflag:s14], $0x4000  }
0x8b: {  	s26 =	smov.u32 s30;
	s25 =	sshra.s32 s29, $0x2;
	[sflag:s14] =	ssyncset.done $0x0  }
0x8c: {  	s26 =	sadd.s32 $0x80, s25;
	[sflag:s14] =	ssyncadd.s32 $0xFFFFC000  }
0x8d: {  	[tilespmem:s18], [sflag:$0x2] =	stream.indirect.gather [hbm4b:s4+s16], $0x80, s26, s16, $0xb8;
	[tilespmem:$0x1E400] =	vst v63  }
0x8e: {  	_ =	swait.ge [sflag:s19], $0x4000  }
0x8f: {  	[sflag:s19] =	ssyncset.done $0x0  }
0x90: {  	s29 =	sadd.s32 $0x1400, s25;
	[sflag:s19] =	ssyncadd.s32 $0xFFFFC000  }
0x91: {  	[spmem:s1] =	stream.indirect.scatter.add.f32 [tilespmem:s17], [sflag:$0x3], $0x80, s29, s16, $0xb8;
	[tilespmem:$0x1E400] =	vst v63  }
0x92: {  	_ =	swait.ge [sflag:s14], $0x4000  }
0x93: {  	[sflag:s14] =	ssyncset.done $0x0  }
0x94: {  	s30 =	sadd.s32 $0x100, s25;
	[sflag:s14] =	ssyncadd.s32 $0xFFFFC000  }
0x95: {  	[tilespmem:s17], [sflag:$0x1] =	stream.indirect.gather [hbm4b:s4+s16], $0x80, s30, s16, $0xb8;
	[tilespmem:$0x1E400] =	vst v63  }
0x96: {  	_ =	swait.ge [sflag:s20], $0x4000  }
0x97: {  	[sflag:s20] =	ssyncset.done $0x0  }
0x98: {  	s31 =	sadd.s32 $0x1480, s25;
	[sflag:s20] =	ssyncadd.s32 $0xFFFFC000  }
0x99: {  	[spmem:s1] =	stream.indirect.scatter.add.f32 [tilespmem:s18], [sflag:$0x3], $0x80, s31, s16, $0xb8;
	[tilespmem:$0x1E400] =	vst v63  }
0x9a: {  	_ =	swait.ge [sflag:s14], $0x4000  }
0x9b: {  	[sflag:s14] =	ssyncset.done $0x0  }
0x9c: {  	[sflag:s14] =	ssyncadd.s32 $0xFFFFC000  }
0x9d: {  	[tilespmem:s18], [sflag:$0x2] =	stream.indirect.gather [hbm4b:s4+s16], $0x80, s21, s16, $0xb8;
	[tilespmem:$0x1E400] =	vst v63  }
0x9e: {  	_ =	swait.ge [sflag:s19], $0x4000  }
0x9f: {  	[sflag:s19] =	ssyncset.done $0x0  }
0xa0: {  	[sflag:s19] =	ssyncadd.s32 $0xFFFFC000  }
0xa1: {  	[spmem:s1] =	stream.indirect.scatter.add.f32 [tilespmem:s17], [sflag:$0x3], $0x80, s22, s16, $0xb8;
	[tilespmem:$0x1E400] =	vst v63  }
0xa2: {  	_ =	swait.ge [sflag:s14], $0x4000  }
0xa3: {  	[sflag:s14] =	ssyncset.done $0x0  }
0xa4: {  	[sflag:s14] =	ssyncadd.s32 $0xFFFFC000  }
0xa5: {  	_ =	swait.ge [sflag:s20], $0x4000  }
0xa6: {  	[sflag:s20] =	ssyncset.done $0x0  }
0xa7: {  	[sflag:s20] =	ssyncadd.s32 $0xFFFFC000  }
0xa8: {  	[spmem:s1] =	stream.indirect.scatter.add.f32 [tilespmem:s18], [sflag:$0x3], $0x80, s23, s16, $0xb8;
	[tilespmem:$0x1E400] =	vst v63  }
0xa9: {  	_ =	swait.ge [sflag:s14], $0x4000  }
0xaa: {  	s24 =	sadd.s32 $0x1, s24;
	[sflag:s14] =	ssyncset.done $0x0  }
0xab: {  	p0 =	sne.s32 s24, s12;
	[sflag:s14] =	ssyncadd.s32 $0xFFFFC000  }
.Ltmp2:
0xac: {  	[bflag:$0x0] =	sbarrier.arrive $0xFFFF;
	(pc) =	sbr.rel @p0 .LBB2_1-.Ltmp2, $4  }
0xad: {  	[hbm:s11], [sflag:s6] =	dma.local [spmem:s13], $0x2780  }
0xae: {  	_ =	swait.ge [sflag:s14], $0x2780  }
0xaf: {  	[sflag:s14] =	ssyncset.done $0x0  }
0xb0: {  	[sflag:s14] =	ssyncadd.s32 $0xFFFFD880  }
0xb1: {  	_ =	sfence.sel $0x180000  }
0xb2: {  	[bflag:$0x0] =	sbarrier.arrive $0xFFFF  }
0xb3: {  	p0 =	sne.s32 s2, $0x0;
	_ =	strace $0x90000047  }
0xb4: {  	s0 =	sadd.s32 @!p0 $0x100000, s0;
	[bflag:$0x2] =	sbarrier.arrive $0xFFFF  }
0xb5: {  	[sflag:s0] =	ssyncadd.tile.s32 @!p0 $0x1;
	_ =	shalt  }
.Lfunc_end2:
_tile_overlayer_lowered:
.L_overlay_start_2:
0xb6: {  	(tag) =	ssettag $0x2  }
0xb7: {  	s0 =	rddreg [dreg:$0x0];
	s2 =	stileid.u32  }
0xb8: {  	s1 =	rddreg [dreg:$0x1];
	p0 =	sne.s32 s2, $0x0  }
0xb9: {  	s3 =	rddreg [dreg:$0x2];
	[bflag:$0x3] =	sbarrier.arrive $0xFFFF;
	s2 =	simm.s32 @!p0 $0x1C03  }
0xba: {  	[timem:s3], [sflag:s2] =	dma.local @!p0 [hbm:s0], s1  }
0xbb: {  	s0 =	simm.s32 @!p0 $0x3  }
0xbc: {  	_ =	swait.ge @!p0 [sflag:s0], s1  }
0xbd: {  	s1 =	ssub.s32 @!p0 $0x0, s1;
	[sflag:s0] =	ssyncset.done @!p0 $0x0  }
0xbe: {  	[sflag:s0] =	ssyncadd.s32 @!p0 s1  }
0xbf: {  	[bflag:$0x3] =	sbarrier.arrive $0xFFFF  }
0xc0: {  	_ =	shalt  }

</sc_bundles>
